<compile_context>
chip_gen: v7x
topology: tpu7x:2x2x1
jax: 0.10.2.dev20260603
libtpu: 0.0.44.dev20260713+nightly
codegen_flags: <defaults>
</compile_context>

<pallas_src>
import functools

import jax
import jax.numpy as jnp
from jax import lax
from jax.experimental import pallas as pl
from jax.experimental.pallas import tpu as pltpu
from jax.experimental.pallas import tpu_sc as plsc

N_WAY = 64
K_SHOT = 5
Q_QUERY = 20
D_IN = 2048
D_OUT = 1024
NQ = N_WAY * Q_QUERY
TOPK = 10
NEG_INF = -1e30
BLK = 256
_CPB = 8
_NE = N_WAY // _CPB
_NB = NQ // BLK

_F32 = jnp.float32


def _tc1_body(x_ref, w_ref, b_ref, qsim_ref, qry_ref, ap_ref, sup_s):
    pid = pl.program_id(0)

    @pl.when(pid < _NE)
    def _encode():
        o = jnp.dot(x_ref[...], w_ref[...], preferred_element_type=_F32) + b_ref[...]
        base_q = pl.multiple_of(pid * (_CPB * Q_QUERY), _CPB * Q_QUERY)
        base_c = pl.multiple_of(pid * _CPB, _CPB)
        qry_ref[pl.ds(base_q, _CPB * Q_QUERY), :] = jnp.concatenate(
            [o[kk * 25 + K_SHOT : (kk + 1) * 25, :] for kk in range(_CPB)], axis=0
        )
        sup_s[pl.ds(base_c, _CPB), :] = jnp.concatenate(
            [
                jnp.concatenate(
                    [o[kk * 25 + s : kk * 25 + s + 1, :] for s in range(K_SHOT)],
                    axis=1,
                )
                for kk in range(_CPB)
            ],
            axis=0,
        )

    @pl.when(pid >= _NE)
    def _sim():
        j = pid - _NE
        qall = qry_ref[...]
        qnt = lax.dot_general(
            jnp.ones((1, D_OUT), _F32), qall * qall, (((1,), (1,)), ((), ())),
            preferred_element_type=_F32,
        )

        qblk = qry_ref[pl.ds(pl.multiple_of(j * BLK, BLK), BLK), :]
        qnb = jnp.sum(qblk * qblk, axis=1, keepdims=True)
        qq = lax.dot_general(
            qblk, qall, (((1,), (1,)), ((), ())), preferred_element_type=_F32
        )
        qsim_ref[...] = 2.0 * qq - qnb - qnt

        @pl.when(j == 0)
        def _adapted_proto():
            proto = sup_s[:, 0 * D_OUT : 1 * D_OUT]
            for s in range(1, K_SHOT):
                proto = proto + sup_s[:, s * D_OUT : (s + 1) * D_OUT]
            proto = proto * (1.0 / K_SHOT)
            pn = jnp.sum(proto * proto, axis=1)
            pq = lax.dot_general(
                proto, qall, (((1,), (1,)), ((), ())), preferred_element_type=_F32
            )
            ps_t = 2.0 * pq - pn[:, None] - qnt

            row_n = lax.broadcasted_iota(jnp.int32, (N_WAY, NQ), 0).astype(_F32)
            m_col = jnp.max(ps_t, axis=0, keepdims=True)
            label = jnp.min(
                jnp.where(ps_t == m_col, row_n, jnp.float32(N_WAY)), axis=0,
                keepdims=True,
            )
            assign = row_n == label

            logq = jnp.where(assign, ps_t, NEG_INF)
            mx = jnp.maximum(jnp.max(logq, axis=1, keepdims=True), 0.0)
            e = jnp.exp(logq - mx)
            e_self = jnp.exp(-mx)
            den = jnp.sum(e, axis=1, keepdims=True) + e_self
            wq = e / den
            ap_ref[...] = (
                lax.dot_general(
                    wq, qall, (((1,), (0,)), ((), ())), preferred_element_type=_F32
                )
                + (e_self / den) * proto
            )


def _tc1(x, W, b):
    xblk = 25 * _CPB
    return pl.pallas_call(
        _tc1_body,
        grid=(_NE + _NB,),
        in_specs=[
            pl.BlockSpec((xblk, D_IN), lambda i: (jnp.minimum(i, _NE - 1), 0)),
            pl.BlockSpec((D_IN, D_OUT), lambda i: (0, 0)),
            pl.BlockSpec((1, D_OUT), lambda i: (0, 0)),
        ],
        out_specs=[
            pl.BlockSpec((BLK, NQ), lambda i: (jnp.maximum(i - _NE, 0), 0)),
            pl.BlockSpec((NQ, D_OUT), lambda i: (0, 0)),
            pl.BlockSpec((N_WAY, D_OUT), lambda i: (0, 0)),
        ],
        out_shape=[
            jax.ShapeDtypeStruct((NQ, NQ), _F32),
            jax.ShapeDtypeStruct((NQ, D_OUT), _F32),
            jax.ShapeDtypeStruct((N_WAY, D_OUT), _F32),
        ],
        scratch_shapes=[
            pltpu.VMEM((N_WAY, K_SHOT * D_OUT), _F32),
        ],
    )(x, W, b.reshape(1, D_OUT))


def _sc_topk(qsim):
    info = plsc.get_sparse_core_info()
    nc, ns = info.num_cores, info.num_subcores
    nw = nc * ns
    rpw = NQ // nw
    mesh = plsc.VectorSubcoreMesh(core_axis_name="c", subcore_axis_name="s")

    @functools.partial(
        pl.kernel,
        mesh=mesh,
        compiler_params=pltpu.CompilerParams(needs_layout_passes=False),
        out_type=[
            jax.ShapeDtypeStruct((NQ, 16), _F32),
            jax.ShapeDtypeStruct((NQ, 16), _F32),
        ],
        scratch_types=[
            pltpu.VMEM((rpw, NQ), _F32),
            pltpu.VMEM((rpw, 16), _F32),
            pltpu.VMEM((rpw, 16), _F32),
        ],
    )
    def k(qsim_hbm, v_out, i_out, rows_v, vbuf, ibuf):
        wid = lax.axis_index("s") * nc + lax.axis_index("c")
        base = wid * rpw
        pltpu.sync_copy(qsim_hbm.at[pl.ds(base, rpw)], rows_v)
        lanef = lax.iota(jnp.int32, 16).astype(_F32)

        def row_body(r, _):
            v0 = rows_v[r, pl.ds(0, 16)]
            cv0, ci0 = plsc.sort_key_val(v0, lanef, descending=True)
            cv0, ci0 = jnp.asarray(cv0), jnp.asarray(ci0)

            def chunk_body(c, carry):
                cv, ci = carry
                v = rows_v[r, pl.ds(c * 16, 16)]
                vi = lanef + (c * 16).astype(_F32)
                vs, isrt = plsc.sort_key_val(v, vi, descending=True)
                bv = lax.rev(cv, (0,))
                bi = lax.rev(ci, (0,))
                take = (vs > bv) | ((vs == bv) & (isrt < bi))
                mv = jnp.where(take, vs, bv)
                mi = jnp.where(take, isrt, bi)
                mv2, mi2 = plsc.sort_key_val(mv, mi, descending=True)
                return (mv2, mi2)

            cv, ci = lax.fori_loop(1, NQ // 16, chunk_body, (cv0, ci0))
            vbuf[r, :] = cv
            ibuf[r, :] = ci
            return 0

        lax.fori_loop(0, rpw, row_body, 0)
        pltpu.sync_copy(vbuf, v_out.at[pl.ds(base, rpw)])
        pltpu.sync_copy(ibuf, i_out.at[pl.ds(base, rpw)])

    return k(qsim)


def _fmt_body(v_ref, i_ref, idx_ref, idxt_ref):
    v = v_ref[...]
    ii = i_ref[...]
    col16 = lax.broadcasted_iota(jnp.int32, (BLK, 16), 1).astype(_F32)
    idx_mat = jnp.full((BLK, 16), float(NQ), dtype=_F32)
    for t in range(TOPK):
        mv = jnp.max(v, axis=1, keepdims=True)
        sel = jnp.min(
            jnp.where(v == mv, ii, jnp.float32(NQ)), axis=1, keepdims=True
        )
        idx_mat = jnp.where(col16 == float(t), sel, idx_mat)
        v = jnp.where(ii == sel, NEG_INF, v)
    idx_ref[...] = idx_mat
    idxt_ref[...] = idx_mat.T


def _fmt(v16, i16):
    return pl.pallas_call(
        _fmt_body,
        grid=(NQ // BLK,),
        in_specs=[
            pl.BlockSpec((BLK, 16), lambda i: (i, 0)),
            pl.BlockSpec((BLK, 16), lambda i: (i, 0)),
        ],
        out_specs=[
            pl.BlockSpec((BLK, 16), lambda i: (i, 0)),
            pl.BlockSpec((16, BLK), lambda i: (0, i)),
        ],
        out_shape=[
            jax.ShapeDtypeStruct((NQ, 16), _F32),
            jax.ShapeDtypeStruct((16, NQ), _F32),
        ],
    )(v16, i16)


def _comb_body(qsim_ref, idx_ref, idxt_ref, qall_ref, ap_ref, s_ref, o_ref):
    pid = pl.program_id(0)
    qsim = qsim_ref[...]
    col = lax.broadcasted_iota(jnp.int32, (BLK, NQ), 1).astype(_F32)

    m_blk = jnp.zeros((BLK, NQ), dtype=jnp.bool_)
    mt_blk = jnp.zeros((BLK, NQ), dtype=jnp.bool_)
    row_glob = lax.broadcasted_iota(jnp.int32, (BLK, NQ), 0).astype(
        _F32
    ) + jnp.float32(BLK) * pid.astype(_F32)
    for t in range(TOPK):
        m_blk = m_blk | (col == idx_ref[:, t : t + 1])
        mt_blk = mt_blk | (idxt_ref[t : t + 1, :] == row_glob)
    mutual = m_blk & mt_blk

    q_log = jnp.where(mutual, qsim, NEG_INF)
    mq = jnp.max(q_log, axis=1, keepdims=True)
    e = jnp.exp(q_log - mq)
    q_w = e / jnp.sum(e, axis=1, keepdims=True)

    aq = lax.dot_general(
        q_w, qall_ref[...], (((1,), (0,)), ((), ())), preferred_element_type=_F32
    )

    ap = ap_ref[...]
    apn = jnp.sum(ap * ap, axis=1)
    aqn = jnp.sum(aq * aq, axis=1, keepdims=True)
    aqp = lax.dot_general(
        aq, ap, (((1,), (1,)), ((), ())), preferred_element_type=_F32
    )
    sim = 2.0 * aqp - aqn - apn[None, :]
    o_ref[...] = s_ref[0] * sim + s_ref[1]


def _combine(qsim, idx, idxt, qry, ap, scal):
    return pl.pallas_call(
        _comb_body,
        grid=(NQ // BLK,),
        in_specs=[
            pl.BlockSpec((BLK, NQ), lambda i: (i, 0)),
            pl.BlockSpec((BLK, 16), lambda i: (i, 0)),
            pl.BlockSpec((16, NQ), lambda i: (0, 0)),
            pl.BlockSpec((NQ, D_OUT), lambda i: (0, 0)),
            pl.BlockSpec((N_WAY, D_OUT), lambda i: (0, 0)),
            pl.BlockSpec(memory_space=pltpu.SMEM),
        ],
        out_specs=pl.BlockSpec((BLK, N_WAY), lambda i: (i, 0)),
        out_shape=jax.ShapeDtypeStruct((NQ, N_WAY), _F32),
    )(qsim, idx, idxt, qry, ap, scal)


def kernel(x, W, b, tao, n, k, q):
    residual = (
        (jnp.asarray(n) - N_WAY)
        + (jnp.asarray(k) - K_SHOT)
        + (jnp.asarray(q) - Q_QUERY)
    ).astype(x.dtype)
    scal = jnp.stack([tao.astype(_F32), residual.astype(_F32)])
    qsim, qry, ap = _tc1(x, W, b)
    v16, i16 = _sc_topk(qsim)
    idx, idxt = _fmt(v16, i16)
    return _combine(qsim, idx, idxt, qry, ap, scal)

# --- scband reference (transcript-rebuilt; emitter-appended) ---
"""Pipeline reference for scband-metric-model-30889404793008 (READ-ONLY COPY).

The authoritative reference and input builder live on the scoring server;
editing this copy changes nothing except your own understanding.
"""

import jax, jax.numpy as jnp
import numpy as np

N_WAY = 64
K_SHOT = 5
Q_QUERY = 20
D_IN = 2048
D_OUT = 1024
TOPK = 10
NEG_INF = -1e30


def setup_inputs(seed: int = 0) -> dict:
    key = jax.random.key(seed)
    k1, k2 = jax.random.split(key, 2)
    x = jax.random.normal(k1, (N_WAY * (K_SHOT + Q_QUERY), D_IN), dtype=jnp.float32)
    W = jax.random.normal(k2, (D_IN, D_OUT), dtype=jnp.float32) * (1.0 / np.sqrt(D_IN))
    b = jnp.zeros((D_OUT,), dtype=jnp.float32)
    tao = jnp.asarray(0.1, dtype=jnp.float32)  # euclidean_distance branch overrides tao to 0.1
    return {"x": x, "W": W, "b": b, "tao": tao, "n": N_WAY, "k": K_SHOT, "q": Q_QUERY}


def euclidean_distance(a, b):
    # negative squared euclidean distance used as similarity (argmax -> nearest proto)
    d = jnp.sum(a * a, axis=-1, keepdims=True) - 2.0 * (a @ b.T) + jnp.sum(b * b, axis=-1)[None, :]
    return -d


def reference(x, W, b, tao, n, k, q):
    n_s, k_s, q_s = N_WAY, K_SHOT, Q_QUERY
    residual = ((jnp.asarray(n) - n_s) + (jnp.asarray(k) - k_s) + (jnp.asarray(q) - q_s)).astype(x.dtype)

    feat = x @ W + b  # linear encoder
    feat = feat.reshape(n_s, k_s + q_s, -1)
    support = feat[:, :k_s, :]
    query = feat[:, k_s:, :].reshape(n_s * q_s, -1)
    proto = support.mean(axis=1)  # [n, d]
    nq = n_s * q_s

    pre_sim = euclidean_distance(query, proto)  # [nq, n]
    pre_label = jnp.argmax(pre_sim, axis=1)  # [nq]

    # ---- adapted prototypes: masked softmax over queries assigned to each class + the proto itself ----
    assign = (pre_label[None, :] == jnp.arange(n_s)[:, None])  # [n, nq] bool
    self_sim = jnp.zeros((n_s,), dtype=pre_sim.dtype)  # dist(proto_c, proto_c) = -0
    logits = jnp.concatenate([pre_sim.T, self_sim[:, None]], axis=1)  # [n, nq+1]
    mask = jnp.concatenate([assign, jnp.ones((n_s, 1), dtype=bool)], axis=1)  # [n, nq+1]
    logits = jnp.where(mask, logits, NEG_INF)
    weights = jax.nn.softmax(logits, axis=1)  # [n, nq+1]
    adapted_proto = weights[:, :nq] @ query + weights[:, nq:nq + 1] * proto  # [n, d]

    # ---- adapted queries: mutual top-k neighborhood weighted aggregation ----
    query_sim = euclidean_distance(query, query)  # [nq, nq]
    _, k_ind = jax.lax.top_k(query_sim, TOPK)  # [nq, TOPK]
    M = jnp.zeros((nq, nq), dtype=query_sim.dtype)
    M = M.at[jnp.arange(nq)[:, None], k_ind].set(1.0)
    mutual = (M + M.T) == 2.0  # [nq, nq] bool; diagonal always True
    q_logits = jnp.where(mutual, query_sim, NEG_INF)
    q_weights = jax.nn.softmax(q_logits, axis=1)  # [nq, nq]
    adapted_query = q_weights @ query  # [nq, d]

    return tao * euclidean_distance(adapted_query, adapted_proto) + residual  # [nq, n]

if __name__ == "__main__":
    import jax
    _d = setup_inputs()
    print(jax.jit(kernel)(*tuple(_d.values())))

</pallas_src>

<mosaic_0001>
#map = affine_map<(d0, d1) -> (0, 0)>
module attributes {stable_mosaic.version = 14 : i64} {
  func.func @k(%arg0: i32, %arg1: i32, %arg2: memref<1280x1280xf32, #tpu.memory_space<hbm>>, %arg3: memref<1280x16xf32, #tpu.memory_space<hbm>>, %arg4: memref<1280x16xf32, #tpu.memory_space<hbm>>, %arg5: memref<40x1280xf32, #tpu.memory_space<vmem>>, %arg6: memref<40x16xf32, #tpu.memory_space<vmem>>, %arg7: memref<40x16xf32, #tpu.memory_space<vmem>>) attributes {dimension_semantics = [#tpu.dimension_semantics<core_parallel>, #tpu.dimension_semantics<subcore_parallel>], iteration_bounds = array<i64: 2, 16>, scalar_prefetch = 0 : i64, scratch_operands = 3 : i64, tpu.core_type = #tpu.core_type<sc_vector_subcore>, window_params = [{transform_indices = #map}, {transform_indices = #map}, {transform_indices = #map}]} {
    %mul3A = arith.constant 2 : i32
    %mul3A_0 = arith.muli %arg1, %mul3A : i32
    %add3A = arith.addi %mul3A_0, %arg0 : i32
    %mul3A_1 = arith.constant 40 : i32
    %mul3A_2 = arith.muli %add3A, %mul3A_1 : i32
    "tpu.region"() ({
      %run_scoped3A = tpu.sem_alloc : memref<!tpu.dma_semaphore, #tpu.memory_space<semaphore_mem>>
      %dma_start3A = arith.constant 0 : i32
      %dma_start3A_9 = tpu.memref_slice %arg2[%mul3A_2, %dma_start3A] : memref<1280x1280xf32, #tpu.memory_space<hbm>> -> memref<40x1280xf32, #tpu.memory_space<hbm>>
      %dma_start3A_10 = arith.constant 0 : i32
      %dma_start3A_11 = tpu.memref_slice %arg2[%mul3A_2, %dma_start3A_10] : memref<1280x1280xf32, #tpu.memory_space<hbm>> -> memref<40x1280xf32, #tpu.memory_space<hbm>>
      tpu.enqueue_dma source(%dma_start3A_11 : memref<40x1280xf32, #tpu.memory_space<hbm>>) target(%arg5 : memref<40x1280xf32, #tpu.memory_space<vmem>>) target_semaphore(%run_scoped3A : memref<!tpu.dma_semaphore, #tpu.memory_space<semaphore_mem>>)
      %dma_wait3A = arith.constant 0 : i32
      %dma_wait3A_12 = tpu.memref_slice %arg2[%mul3A_2, %dma_wait3A] : memref<1280x1280xf32, #tpu.memory_space<hbm>> -> memref<40x1280xf32, #tpu.memory_space<hbm>>
      %dma_wait3A_13 = arith.constant 0 : i32
      %dma_wait3A_14 = tpu.memref_slice %arg2[%mul3A_2, %dma_wait3A_13] : memref<1280x1280xf32, #tpu.memory_space<hbm>> -> memref<40x1280xf32, #tpu.memory_space<hbm>>
      tpu.wait_dma2 semaphore(%run_scoped3A : memref<!tpu.dma_semaphore, #tpu.memory_space<semaphore_mem>>) src(%dma_wait3A_14 : memref<40x1280xf32, #tpu.memory_space<hbm>>) dst(%arg5 : memref<40x1280xf32, #tpu.memory_space<vmem>>)
      tpu.yield
    }) : () -> ()
    %iota3A = tpu.iota {dimensions = array<i32: 0>} : vector<16xi32>
    %convert_element_type3A = arith.sitofp %iota3A : vector<16xi32> to vector<16xf32>
    %scan3A = arith.constant 0 : i32
    %scan3A_3 = arith.constant 0 : i32
    %scan3A_4 = arith.constant 40 : i32
    %scan3A_5 = arith.addi %scan3A_3, %scan3A_4 : i32
    %scan3A_6 = arith.constant 1 : i32
    %scan3A_7 = scf.for %scan3A_9 = %scan3A_3 to %scan3A_5 step %scan3A_6 iter_args(%scan3A_10 = %scan3A) -> (i32)  : i32 {
      %get3A = arith.index_cast %scan3A_9 : i32 to index
      %get3A_11 = arith.constant 0 : index
      %get3A_12 = tpu.vector_load %arg5[%get3A, %get3A_11] {strides = array<i32>} : memref<40x1280xf32, #tpu.memory_space<vmem>>, vector<16xf32>,
      %masked_sort3A = arith.constant dense<true> : vector<16xi1>
      %masked_sort3A_13, %masked_sort3A_14, %masked_sort3A_15 = tpu.sort %get3A_12, %convert_element_type3A masked %masked_sort3A {descending = true} : (vector<16xf32>, vector<16xf32>, vector<16xi1>) -> (vector<16xi1>, vector<16xf32>, vector<16xf32>)
      %scan3A_16 = arith.constant 1 : i32
      %scan3A_17 = arith.constant 79 : i32
      %scan3A_18 = arith.addi %scan3A_16, %scan3A_17 : i32
      %scan3A_19 = arith.constant 1 : i32
      %scan3A_20:2 = scf.for %scan3A_28 = %scan3A_16 to %scan3A_18 step %scan3A_19 iter_args(%scan3A_29 = %masked_sort3A_14, %scan3A_30 = %masked_sort3A_15) -> (vector<16xf32>, vector<16xf32>)  : i32 {
        %mul3A_31 = arith.constant 16 : i32
        %mul3A_32 = arith.muli %scan3A_28, %mul3A_31 : i32
        %get3A_33 = arith.index_cast %scan3A_9 : i32 to index
        %get3A_34 = arith.index_cast %mul3A_32 : i32 to index
        %get3A_35 = tpu.vector_load %arg5[%get3A_33, %get3A_34] {strides = array<i32>} : memref<40x1280xf32, #tpu.memory_space<vmem>>, vector<16xf32>,
        %mul3A_36 = arith.constant 16 : i32
        %mul3A_37 = arith.muli %scan3A_28, %mul3A_36 : i32
        %convert_element_type3A_38 = arith.sitofp %mul3A_37 : i32 to f32
        %add3A_39 = vector.broadcast %convert_element_type3A_38 : f32 to vector<16xf32>
        %add3A_40 = arith.addf %convert_element_type3A, %add3A_39 : vector<16xf32>
        %masked_sort3A_41 = arith.constant dense<true> : vector<16xi1>
        %masked_sort3A_42, %masked_sort3A_43, %masked_sort3A_44 = tpu.sort %get3A_35, %add3A_40 masked %masked_sort3A_41 {descending = true} : (vector<16xf32>, vector<16xf32>, vector<16xi1>) -> (vector<16xi1>, vector<16xf32>, vector<16xf32>)
        %rev3A = arith.constant 15 : i32
        %rev3A_45 = vector.broadcast %rev3A : i32 to vector<16xi32>
        %rev3A_46 = tpu.iota {dimensions = array<i32: 0>} : vector<16xi32>
        %rev3A_47 = arith.subi %rev3A_45, %rev3A_46 : vector<16xi32>
        %rev3A_48 = tpu.dynamic_gather %scan3A_29[%rev3A_47] in [0] : vector<16xf32>, vector<16xi32> -> vector<16xf32>
        %rev3A_49 = arith.constant 15 : i32
        %rev3A_50 = vector.broadcast %rev3A_49 : i32 to vector<16xi32>
        %rev3A_51 = tpu.iota {dimensions = array<i32: 0>} : vector<16xi32>
        %rev3A_52 = arith.subi %rev3A_50, %rev3A_51 : vector<16xi32>
        %rev3A_53 = tpu.dynamic_gather %scan3A_30[%rev3A_52] in [0] : vector<16xf32>, vector<16xi32> -> vector<16xf32>
        %gt3A = arith.cmpf ogt, %masked_sort3A_43, %rev3A_48 : vector<16xf32>
        %eq3A = arith.cmpf oeq, %masked_sort3A_43, %rev3A_48 : vector<16xf32>
        %lt3A = arith.cmpf olt, %masked_sort3A_44, %rev3A_53 : vector<16xf32>
        %and3A = arith.andi %eq3A, %lt3A : vector<16xi1>
        %or3A = arith.ori %gt3A, %and3A : vector<16xi1>
        %select_n3A = arith.select %or3A, %masked_sort3A_43, %rev3A_48 : vector<16xi1>, vector<16xf32>
        %select_n3A_54 = arith.select %or3A, %masked_sort3A_44, %rev3A_53 : vector<16xi1>, vector<16xf32>
        %masked_sort3A_55 = arith.constant dense<true> : vector<16xi1>
        %masked_sort3A_56, %masked_sort3A_57, %masked_sort3A_58 = tpu.sort %select_n3A, %select_n3A_54 masked %masked_sort3A_55 {descending = true} : (vector<16xf32>, vector<16xf32>, vector<16xi1>) -> (vector<16xi1>, vector<16xf32>, vector<16xf32>)
        scf.yield %masked_sort3A_57, %masked_sort3A_58 : vector<16xf32>, vector<16xf32>
      }
      %scan3A_21 = arith.constant 79 : i32
      %swap3A = arith.index_cast %scan3A_9 : i32 to index
      %swap3A_22 = arith.constant 0 : index
      %swap3A_23 = tpu.vector_load %arg6[%swap3A, %swap3A_22] {strides = array<i32>} : memref<40x16xf32, #tpu.memory_space<vmem>>, vector<16xf32>,
      tpu.vector_store %arg6[%swap3A, %swap3A_22], %scan3A_20#0 {strides = array<i32>} : memref<40x16xf32, #tpu.memory_space<vmem>>, vector<16xf32>,
      %swap3A_24 = arith.index_cast %scan3A_9 : i32 to index
      %swap3A_25 = arith.constant 0 : index
      %swap3A_26 = tpu.vector_load %arg7[%swap3A_24, %swap3A_25] {strides = array<i32>} : memref<40x16xf32, #tpu.memory_space<vmem>>, vector<16xf32>,
      tpu.vector_store %arg7[%swap3A_24, %swap3A_25], %scan3A_20#1 {strides = array<i32>} : memref<40x16xf32, #tpu.memory_space<vmem>>, vector<16xf32>,
      %scan3A_27 = arith.constant 0 : i32
      scf.yield %scan3A_27 : i32
    }
    %scan3A_8 = arith.constant 40 : i32
    "tpu.region"() ({
      %run_scoped3A = tpu.sem_alloc : memref<!tpu.dma_semaphore, #tpu.memory_space<semaphore_mem>>
      %dma_start3A = arith.constant 0 : i32
      %dma_start3A_9 = tpu.memref_slice %arg3[%mul3A_2, %dma_start3A] : memref<1280x16xf32, #tpu.memory_space<hbm>> -> memref<40x16xf32, #tpu.memory_space<hbm>>
      %dma_start3A_10 = arith.constant 0 : i32
      %dma_start3A_11 = tpu.memref_slice %arg3[%mul3A_2, %dma_start3A_10] : memref<1280x16xf32, #tpu.memory_space<hbm>> -> memref<40x16xf32, #tpu.memory_space<hbm>>
      tpu.enqueue_dma source(%arg6 : memref<40x16xf32, #tpu.memory_space<vmem>>) target(%dma_start3A_11 : memref<40x16xf32, #tpu.memory_space<hbm>>) target_semaphore(%run_scoped3A : memref<!tpu.dma_semaphore, #tpu.memory_space<semaphore_mem>>)
      %dma_wait3A = arith.constant 0 : i32
      %dma_wait3A_12 = tpu.memref_slice %arg3[%mul3A_2, %dma_wait3A] : memref<1280x16xf32, #tpu.memory_space<hbm>> -> memref<40x16xf32, #tpu.memory_space<hbm>>
      %dma_wait3A_13 = arith.constant 0 : i32
      %dma_wait3A_14 = tpu.memref_slice %arg3[%mul3A_2, %dma_wait3A_13] : memref<1280x16xf32, #tpu.memory_space<hbm>> -> memref<40x16xf32, #tpu.memory_space<hbm>>
      tpu.wait_dma2 semaphore(%run_scoped3A : memref<!tpu.dma_semaphore, #tpu.memory_space<semaphore_mem>>) src(%arg6 : memref<40x16xf32, #tpu.memory_space<vmem>>) dst(%dma_wait3A_14 : memref<40x16xf32, #tpu.memory_space<hbm>>)
      tpu.yield
    }) : () -> ()
    "tpu.region"() ({
      %run_scoped3A = tpu.sem_alloc : memref<!tpu.dma_semaphore, #tpu.memory_space<semaphore_mem>>
      %dma_start3A = arith.constant 0 : i32
      %dma_start3A_9 = tpu.memref_slice %arg4[%mul3A_2, %dma_start3A] : memref<1280x16xf32, #tpu.memory_space<hbm>> -> memref<40x16xf32, #tpu.memory_space<hbm>>
      %dma_start3A_10 = arith.constant 0 : i32
      %dma_start3A_11 = tpu.memref_slice %arg4[%mul3A_2, %dma_start3A_10] : memref<1280x16xf32, #tpu.memory_space<hbm>> -> memref<40x16xf32, #tpu.memory_space<hbm>>
      tpu.enqueue_dma source(%arg7 : memref<40x16xf32, #tpu.memory_space<vmem>>) target(%dma_start3A_11 : memref<40x16xf32, #tpu.memory_space<hbm>>) target_semaphore(%run_scoped3A : memref<!tpu.dma_semaphore, #tpu.memory_space<semaphore_mem>>)
      %dma_wait3A = arith.constant 0 : i32
      %dma_wait3A_12 = tpu.memref_slice %arg4[%mul3A_2, %dma_wait3A] : memref<1280x16xf32, #tpu.memory_space<hbm>> -> memref<40x16xf32, #tpu.memory_space<hbm>>
      %dma_wait3A_13 = arith.constant 0 : i32
      %dma_wait3A_14 = tpu.memref_slice %arg4[%mul3A_2, %dma_wait3A_13] : memref<1280x16xf32, #tpu.memory_space<hbm>> -> memref<40x16xf32, #tpu.memory_space<hbm>>
      tpu.wait_dma2 semaphore(%run_scoped3A : memref<!tpu.dma_semaphore, #tpu.memory_space<semaphore_mem>>) src(%arg7 : memref<40x16xf32, #tpu.memory_space<vmem>>) dst(%dma_wait3A_14 : memref<40x16xf32, #tpu.memory_space<hbm>>)
      tpu.yield
    }) : () -> ()
    return
  }
}

module attributes {stable_mosaic.version = 14 : i64} {
  func.func @_fmt_body(%arg0: i32, %arg1: memref<256x16xf32, #tpu.memory_space<vmem>>, %arg2: memref<256x16xf32, #tpu.memory_space<vmem>>, %arg3: memref<256x16xf32, #tpu.memory_space<vmem>>, %arg4: memref<16x256xf32, #tpu.memory_space<vmem>>) attributes {dimension_semantics = [#tpu.dimension_semantics<arbitrary>], iteration_bounds = array<i64: 5>, scalar_prefetch = 0 : i64, scratch_operands = 0 : i64, tpu.core_type = #tpu.core_type<tc>, window_params = [{transform_indices = @transform_0, window_bounds = array<i64: 256, 16>}, {transform_indices = @transform_1, window_bounds = array<i64: 256, 16>}, {transform_indices = @transform_2, window_bounds = array<i64: 256, 16>}, {transform_indices = @transform_3, window_bounds = array<i64: 16, 256>}]} {
    %get3A = arith.constant 0 : index
    %get3A_0 = arith.constant 0 : index
    %get3A_1 = vector.load %arg1[%get3A, %get3A_0] : memref<256x16xf32, #tpu.memory_space<vmem>>, vector<256x16xf32>
    %get3A_2 = arith.constant 0 : index
    %get3A_3 = arith.constant 0 : index
    %get3A_4 = vector.load %arg2[%get3A_2, %get3A_3] : memref<256x16xf32, #tpu.memory_space<vmem>>, vector<256x16xf32>
    %iota3A = tpu.iota {dimensions = array<i32: 1>} : vector<256x16xi32>
    %convert_element_type3A = arith.sitofp %iota3A : vector<256x16xi32> to vector<256x16xf32>
    %broadcast_in_dim3A = arith.constant 1.280000e+03 : f32
    %broadcast_in_dim3A_5 = vector.broadcast %broadcast_in_dim3A : f32 to vector<256x16xf32>
    %reduce_max3A = arith.constant dense<0xFF800000> : vector<256xf32>
    %reduce_max3A_6 = vector.multi_reduction <maximumf>, %get3A_1, %reduce_max3A [1] : vector<256x16xf32> to vector<256xf32>
    %broadcast_in_dim3A_7 = vector.shape_cast %reduce_max3A_6 : vector<256xf32> to vector<256x1xf32>
    %eq3A = vector.broadcast %broadcast_in_dim3A_7 : vector<256x1xf32> to vector<256x16xf32>
    %eq3A_8 = arith.cmpf oeq, %get3A_1, %eq3A : vector<256x16xf32>
    %jit3A = arith.constant 1.280000e+03 : f32
    %broadcast_in_dim3A_9 = vector.broadcast %jit3A : f32 to vector<256x16xf32>
    %select_n3A = arith.select %eq3A_8, %get3A_4, %broadcast_in_dim3A_9 : vector<256x16xi1>, vector<256x16xf32>
    %reduce_min3A = arith.constant dense<0x7F800000> : vector<256xf32>
    %reduce_min3A_10 = vector.multi_reduction <minimumf>, %select_n3A, %reduce_min3A [1] : vector<256x16xf32> to vector<256xf32>
    %broadcast_in_dim3A_11 = vector.shape_cast %reduce_min3A_10 : vector<256xf32> to vector<256x1xf32>
    %eq3A_12 = arith.constant 0.000000e+00 : f32
    %eq3A_13 = vector.broadcast %eq3A_12 : f32 to vector<256x16xf32>
    %eq3A_14 = arith.cmpf oeq, %convert_element_type3A, %eq3A_13 : vector<256x16xf32>
    %broadcast_in_dim3A_15 = vector.shape_cast %broadcast_in_dim3A_11 : vector<256x1xf32> to vector<256x1xf32>
    %broadcast_in_dim3A_16 = vector.broadcast %broadcast_in_dim3A_15 : vector<256x1xf32> to vector<256x16xf32>
    %select_n3A_17 = arith.select %eq3A_14, %broadcast_in_dim3A_16, %broadcast_in_dim3A_5 : vector<256x16xi1>, vector<256x16xf32>
    %eq3A_18 = vector.broadcast %broadcast_in_dim3A_11 : vector<256x1xf32> to vector<256x16xf32>
    %eq3A_19 = arith.cmpf oeq, %get3A_4, %eq3A_18 : vector<256x16xf32>
    %jit3A_20 = arith.constant -1.000000e+30 : f32
    %broadcast_in_dim3A_21 = vector.broadcast %jit3A_20 : f32 to vector<256x16xf32>
    %select_n3A_22 = arith.select %eq3A_19, %broadcast_in_dim3A_21, %get3A_1 : vector<256x16xi1>, vector<256x16xf32>
    %reduce_max3A_23 = arith.constant dense<0xFF800000> : vector<256xf32>
    %reduce_max3A_24 = vector.multi_reduction <maximumf>, %select_n3A_22, %reduce_max3A_23 [1] : vector<256x16xf32> to vector<256xf32>
    %broadcast_in_dim3A_25 = vector.shape_cast %reduce_max3A_24 : vector<256xf32> to vector<256x1xf32>
    %eq3A_26 = vector.broadcast %broadcast_in_dim3A_25 : vector<256x1xf32> to vector<256x16xf32>
    %eq3A_27 = arith.cmpf oeq, %select_n3A_22, %eq3A_26 : vector<256x16xf32>
    %jit3A_28 = arith.constant 1.280000e+03 : f32
    %broadcast_in_dim3A_29 = vector.broadcast %jit3A_28 : f32 to vector<256x16xf32>
    %select_n3A_30 = arith.select %eq3A_27, %get3A_4, %broadcast_in_dim3A_29 : vector<256x16xi1>, vector<256x16xf32>
    %reduce_min3A_31 = arith.constant dense<0x7F800000> : vector<256xf32>
    %reduce_min3A_32 = vector.multi_reduction <minimumf>, %select_n3A_30, %reduce_min3A_31 [1] : vector<256x16xf32> to vector<256xf32>
    %broadcast_in_dim3A_33 = vector.shape_cast %reduce_min3A_32 : vector<256xf32> to vector<256x1xf32>
    %eq3A_34 = arith.constant 1.000000e+00 : f32
    %eq3A_35 = vector.broadcast %eq3A_34 : f32 to vector<256x16xf32>
    %eq3A_36 = arith.cmpf oeq, %convert_element_type3A, %eq3A_35 : vector<256x16xf32>
    %broadcast_in_dim3A_37 = vector.shape_cast %broadcast_in_dim3A_33 : vector<256x1xf32> to vector<256x1xf32>
    %broadcast_in_dim3A_38 = vector.broadcast %broadcast_in_dim3A_37 : vector<256x1xf32> to vector<256x16xf32>
    %select_n3A_39 = arith.select %eq3A_36, %broadcast_in_dim3A_38, %select_n3A_17 : vector<256x16xi1>, vector<256x16xf32>
    %eq3A_40 = vector.broadcast %broadcast_in_dim3A_33 : vector<256x1xf32> to vector<256x16xf32>
    %eq3A_41 = arith.cmpf oeq, %get3A_4, %eq3A_40 : vector<256x16xf32>
    %jit3A_42 = arith.constant -1.000000e+30 : f32
    %broadcast_in_dim3A_43 = vector.broadcast %jit3A_42 : f32 to vector<256x16xf32>
    %select_n3A_44 = arith.select %eq3A_41, %broadcast_in_dim3A_43, %select_n3A_22 : vector<256x16xi1>, vector<256x16xf32>
    %reduce_max3A_45 = arith.constant dense<0xFF800000> : vector<256xf32>
    %reduce_max3A_46 = vector.multi_reduction <maximumf>, %select_n3A_44, %reduce_max3A_45 [1] : vector<256x16xf32> to vector<256xf32>
    %broadcast_in_dim3A_47 = vector.shape_cast %reduce_max3A_46 : vector<256xf32> to vector<256x1xf32>
    %eq3A_48 = vector.broadcast %broadcast_in_dim3A_47 : vector<256x1xf32> to vector<256x16xf32>
    %eq3A_49 = arith.cmpf oeq, %select_n3A_44, %eq3A_48 : vector<256x16xf32>
    %jit3A_50 = arith.constant 1.280000e+03 : f32
    %broadcast_in_dim3A_51 = vector.broadcast %jit3A_50 : f32 to vector<256x16xf32>
    %select_n3A_52 = arith.select %eq3A_49, %get3A_4, %broadcast_in_dim3A_51 : vector<256x16xi1>, vector<256x16xf32>
    %reduce_min3A_53 = arith.constant dense<0x7F800000> : vector<256xf32>
    %reduce_min3A_54 = vector.multi_reduction <minimumf>, %select_n3A_52, %reduce_min3A_53 [1] : vector<256x16xf32> to vector<256xf32>
    %broadcast_in_dim3A_55 = vector.shape_cast %reduce_min3A_54 : vector<256xf32> to vector<256x1xf32>
    %eq3A_56 = arith.constant 2.000000e+00 : f32
    %eq3A_57 = vector.broadcast %eq3A_56 : f32 to vector<256x16xf32>
    %eq3A_58 = arith.cmpf oeq, %convert_element_type3A, %eq3A_57 : vector<256x16xf32>
    %broadcast_in_dim3A_59 = vector.shape_cast %broadcast_in_dim3A_55 : vector<256x1xf32> to vector<256x1xf32>
    %broadcast_in_dim3A_60 = vector.broadcast %broadcast_in_dim3A_59 : vector<256x1xf32> to vector<256x16xf32>
    %select_n3A_61 = arith.select %eq3A_58, %broadcast_in_dim3A_60, %select_n3A_39 : vector<256x16xi1>, vector<256x16xf32>
    %eq3A_62 = vector.broadcast %broadcast_in_dim3A_55 : vector<256x1xf32> to vector<256x16xf32>
    %eq3A_63 = arith.cmpf oeq, %get3A_4, %eq3A_62 : vector<256x16xf32>
    %jit3A_64 = arith.constant -1.000000e+30 : f32
    %broadcast_in_dim3A_65 = vector.broadcast %jit3A_64 : f32 to vector<256x16xf32>
    %select_n3A_66 = arith.select %eq3A_63, %broadcast_in_dim3A_65, %select_n3A_44 : vector<256x16xi1>, vector<256x16xf32>
    %reduce_max3A_67 = arith.constant dense<0xFF800000> : vector<256xf32>
    %reduce_max3A_68 = vector.multi_reduction <maximumf>, %select_n3A_66, %reduce_max3A_67 [1] : vector<256x16xf32> to vector<256xf32>
    %broadcast_in_dim3A_69 = vector.shape_cast %reduce_max3A_68 : vector<256xf32> to vector<256x1xf32>
    %eq3A_70 = vector.broadcast %broadcast_in_dim3A_69 : vector<256x1xf32> to vector<256x16xf32>
    %eq3A_71 = arith.cmpf oeq, %select_n3A_66, %eq3A_70 : vector<256x16xf32>
    %jit3A_72 = arith.constant 1.280000e+03 : f32
    %broadcast_in_dim3A_73 = vector.broadcast %jit3A_72 : f32 to vector<256x16xf32>
    %select_n3A_74 = arith.select %eq3A_71, %get3A_4, %broadcast_in_dim3A_73 : vector<256x16xi1>, vector<256x16xf32>
    %reduce_min3A_75 = arith.constant dense<0x7F800000> : vector<256xf32>
    %reduce_min3A_76 = vector.multi_reduction <minimumf>, %select_n3A_74, %reduce_min3A_75 [1] : vector<256x16xf32> to vector<256xf32>
    %broadcast_in_dim3A_77 = vector.shape_cast %reduce_min3A_76 : vector<256xf32> to vector<256x1xf32>
    %eq3A_78 = arith.constant 3.000000e+00 : f32
    %eq3A_79 = vector.broadcast %eq3A_78 : f32 to vector<256x16xf32>
    %eq3A_80 = arith.cmpf oeq, %convert_element_type3A, %eq3A_79 : vector<256x16xf32>
    %broadcast_in_dim3A_81 = vector.shape_cast %broadcast_in_dim3A_77 : vector<256x1xf32> to vector<256x1xf32>
    %broadcast_in_dim3A_82 = vector.broadcast %broadcast_in_dim3A_81 : vector<256x1xf32> to vector<256x16xf32>
    %select_n3A_83 = arith.select %eq3A_80, %broadcast_in_dim3A_82, %select_n3A_61 : vector<256x16xi1>, vector<256x16xf32>
    %eq3A_84 = vector.broadcast %broadcast_in_dim3A_77 : vector<256x1xf32> to vector<256x16xf32>
    %eq3A_85 = arith.cmpf oeq, %get3A_4, %eq3A_84 : vector<256x16xf32>
    %jit3A_86 = arith.constant -1.000000e+30 : f32
    %broadcast_in_dim3A_87 = vector.broadcast %jit3A_86 : f32 to vector<256x16xf32>
    %select_n3A_88 = arith.select %eq3A_85, %broadcast_in_dim3A_87, %select_n3A_66 : vector<256x16xi1>, vector<256x16xf32>
    %reduce_max3A_89 = arith.constant dense<0xFF800000> : vector<256xf32>
    %reduce_max3A_90 = vector.multi_reduction <maximumf>, %select_n3A_88, %reduce_max3A_89 [1] : vector<256x16xf32> to vector<256xf32>
    %broadcast_in_dim3A_91 = vector.shape_cast %reduce_max3A_90 : vector<256xf32> to vector<256x1xf32>
    %eq3A_92 = vector.broadcast %broadcast_in_dim3A_91 : vector<256x1xf32> to vector<256x16xf32>
    %eq3A_93 = arith.cmpf oeq, %select_n3A_88, %eq3A_92 : vector<256x16xf32>
    %jit3A_94 = arith.constant 1.280000e+03 : f32
    %broadcast_in_dim3A_95 = vector.broadcast %jit3A_94 : f32 to vector<256x16xf32>
    %select_n3A_96 = arith.select %eq3A_93, %get3A_4, %broadcast_in_dim3A_95 : vector<256x16xi1>, vector<256x16xf32>
    %reduce_min3A_97 = arith.constant dense<0x7F800000> : vector<256xf32>
    %reduce_min3A_98 = vector.multi_reduction <minimumf>, %select_n3A_96, %reduce_min3A_97 [1] : vector<256x16xf32> to vector<256xf32>
    %broadcast_in_dim3A_99 = vector.shape_cast %reduce_min3A_98 : vector<256xf32> to vector<256x1xf32>
    %eq3A_100 = arith.constant 4.000000e+00 : f32
    %eq3A_101 = vector.broadcast %eq3A_100 : f32 to vector<256x16xf32>
    %eq3A_102 = arith.cmpf oeq, %convert_element_type3A, %eq3A_101 : vector<256x16xf32>
    %broadcast_in_dim3A_103 = vector.shape_cast %broadcast_in_dim3A_99 : vector<256x1xf32> to vector<256x1xf32>
    %broadcast_in_dim3A_104 = vector.broadcast %broadcast_in_dim3A_103 : vector<256x1xf32> to vector<256x16xf32>
    %select_n3A_105 = arith.select %eq3A_102, %broadcast_in_dim3A_104, %select_n3A_83 : vector<256x16xi1>, vector<256x16xf32>
    %eq3A_106 = vector.broadcast %broadcast_in_dim3A_99 : vector<256x1xf32> to vector<256x16xf32>
    %eq3A_107 = arith.cmpf oeq, %get3A_4, %eq3A_106 : vector<256x16xf32>
    %jit3A_108 = arith.constant -1.000000e+30 : f32
    %broadcast_in_dim3A_109 = vector.broadcast %jit3A_108 : f32 to vector<256x16xf32>
    %select_n3A_110 = arith.select %eq3A_107, %broadcast_in_dim3A_109, %select_n3A_88 : vector<256x16xi1>, vector<256x16xf32>
    %reduce_max3A_111 = arith.constant dense<0xFF800000> : vector<256xf32>
    %reduce_max3A_112 = vector.multi_reduction <maximumf>, %select_n3A_110, %reduce_max3A_111 [1] : vector<256x16xf32> to vector<256xf32>
    %broadcast_in_dim3A_113 = vector.shape_cast %reduce_max3A_112 : vector<256xf32> to vector<256x1xf32>
    %eq3A_114 = vector.broadcast %broadcast_in_dim3A_113 : vector<256x1xf32> to vector<256x16xf32>
    %eq3A_115 = arith.cmpf oeq, %select_n3A_110, %eq3A_114 : vector<256x16xf32>
    %jit3A_116 = arith.constant 1.280000e+03 : f32
    %broadcast_in_dim3A_117 = vector.broadcast %jit3A_116 : f32 to vector<256x16xf32>
    %select_n3A_118 = arith.select %eq3A_115, %get3A_4, %broadcast_in_dim3A_117 : vector<256x16xi1>, vector<256x16xf32>
    %reduce_min3A_119 = arith.constant dense<0x7F800000> : vector<256xf32>
    %reduce_min3A_120 = vector.multi_reduction <minimumf>, %select_n3A_118, %reduce_min3A_119 [1] : vector<256x16xf32> to vector<256xf32>
    %broadcast_in_dim3A_121 = vector.shape_cast %reduce_min3A_120 : vector<256xf32> to vector<256x1xf32>
    %eq3A_122 = arith.constant 5.000000e+00 : f32
    %eq3A_123 = vector.broadcast %eq3A_122 : f32 to vector<256x16xf32>
    %eq3A_124 = arith.cmpf oeq, %convert_element_type3A, %eq3A_123 : vector<256x16xf32>
    %broadcast_in_dim3A_125 = vector.shape_cast %broadcast_in_dim3A_121 : vector<256x1xf32> to vector<256x1xf32>
    %broadcast_in_dim3A_126 = vector.broadcast %broadcast_in_dim3A_125 : vector<256x1xf32> to vector<256x16xf32>
    %select_n3A_127 = arith.select %eq3A_124, %broadcast_in_dim3A_126, %select_n3A_105 : vector<256x16xi1>, vector<256x16xf32>
    %eq3A_128 = vector.broadcast %broadcast_in_dim3A_121 : vector<256x1xf32> to vector<256x16xf32>
    %eq3A_129 = arith.cmpf oeq, %get3A_4, %eq3A_128 : vector<256x16xf32>
    %jit3A_130 = arith.constant -1.000000e+30 : f32
    %broadcast_in_dim3A_131 = vector.broadcast %jit3A_130 : f32 to vector<256x16xf32>
    %select_n3A_132 = arith.select %eq3A_129, %broadcast_in_dim3A_131, %select_n3A_110 : vector<256x16xi1>, vector<256x16xf32>
    %reduce_max3A_133 = arith.constant dense<0xFF800000> : vector<256xf32>
    %reduce_max3A_134 = vector.multi_reduction <maximumf>, %select_n3A_132, %reduce_max3A_133 [1] : vector<256x16xf32> to vector<256xf32>
    %broadcast_in_dim3A_135 = vector.shape_cast %reduce_max3A_134 : vector<256xf32> to vector<256x1xf32>
    %eq3A_136 = vector.broadcast %broadcast_in_dim3A_135 : vector<256x1xf32> to vector<256x16xf32>
    %eq3A_137 = arith.cmpf oeq, %select_n3A_132, %eq3A_136 : vector<256x16xf32>
    %jit3A_138 = arith.constant 1.280000e+03 : f32
    %broadcast_in_dim3A_139 = vector.broadcast %jit3A_138 : f32 to vector<256x16xf32>
    %select_n3A_140 = arith.select %eq3A_137, %get3A_4, %broadcast_in_dim3A_139 : vector<256x16xi1>, vector<256x16xf32>
    %reduce_min3A_141 = arith.constant dense<0x7F800000> : vector<256xf32>
    %reduce_min3A_142 = vector.multi_reduction <minimumf>, %select_n3A_140, %reduce_min3A_141 [1] : vector<256x16xf32> to vector<256xf32>
    %broadcast_in_dim3A_143 = vector.shape_cast %reduce_min3A_142 : vector<256xf32> to vector<256x1xf32>
    %eq3A_144 = arith.constant 6.000000e+00 : f32
    %eq3A_145 = vector.broadcast %eq3A_144 : f32 to vector<256x16xf32>
    %eq3A_146 = arith.cmpf oeq, %convert_element_type3A, %eq3A_145 : vector<256x16xf32>
    %broadcast_in_dim3A_147 = vector.shape_cast %broadcast_in_dim3A_143 : vector<256x1xf32> to vector<256x1xf32>
    %broadcast_in_dim3A_148 = vector.broadcast %broadcast_in_dim3A_147 : vector<256x1xf32> to vector<256x16xf32>
    %select_n3A_149 = arith.select %eq3A_146, %broadcast_in_dim3A_148, %select_n3A_127 : vector<256x16xi1>, vector<256x16xf32>
    %eq3A_150 = vector.broadcast %broadcast_in_dim3A_143 : vector<256x1xf32> to vector<256x16xf32>
    %eq3A_151 = arith.cmpf oeq, %get3A_4, %eq3A_150 : vector<256x16xf32>
    %jit3A_152 = arith.constant -1.000000e+30 : f32
    %broadcast_in_dim3A_153 = vector.broadcast %jit3A_152 : f32 to vector<256x16xf32>
    %select_n3A_154 = arith.select %eq3A_151, %broadcast_in_dim3A_153, %select_n3A_132 : vector<256x16xi1>, vector<256x16xf32>
    %reduce_max3A_155 = arith.constant dense<0xFF800000> : vector<256xf32>
    %reduce_max3A_156 = vector.multi_reduction <maximumf>, %select_n3A_154, %reduce_max3A_155 [1] : vector<256x16xf32> to vector<256xf32>
    %broadcast_in_dim3A_157 = vector.shape_cast %reduce_max3A_156 : vector<256xf32> to vector<256x1xf32>
    %eq3A_158 = vector.broadcast %broadcast_in_dim3A_157 : vector<256x1xf32> to vector<256x16xf32>
    %eq3A_159 = arith.cmpf oeq, %select_n3A_154, %eq3A_158 : vector<256x16xf32>
    %jit3A_160 = arith.constant 1.280000e+03 : f32
    %broadcast_in_dim3A_161 = vector.broadcast %jit3A_160 : f32 to vector<256x16xf32>
    %select_n3A_162 = arith.select %eq3A_159, %get3A_4, %broadcast_in_dim3A_161 : vector<256x16xi1>, vector<256x16xf32>
    %reduce_min3A_163 = arith.constant dense<0x7F800000> : vector<256xf32>
    %reduce_min3A_164 = vector.multi_reduction <minimumf>, %select_n3A_162, %reduce_min3A_163 [1] : vector<256x16xf32> to vector<256xf32>
    %broadcast_in_dim3A_165 = vector.shape_cast %reduce_min3A_164 : vector<256xf32> to vector<256x1xf32>
    %eq3A_166 = arith.constant 7.000000e+00 : f32
    %eq3A_167 = vector.broadcast %eq3A_166 : f32 to vector<256x16xf32>
    %eq3A_168 = arith.cmpf oeq, %convert_element_type3A, %eq3A_167 : vector<256x16xf32>
    %broadcast_in_dim3A_169 = vector.shape_cast %broadcast_in_dim3A_165 : vector<256x1xf32> to vector<256x1xf32>
    %broadcast_in_dim3A_170 = vector.broadcast %broadcast_in_dim3A_169 : vector<256x1xf32> to vector<256x16xf32>
    %select_n3A_171 = arith.select %eq3A_168, %broadcast_in_dim3A_170, %select_n3A_149 : vector<256x16xi1>, vector<256x16xf32>
    %eq3A_172 = vector.broadcast %broadcast_in_dim3A_165 : vector<256x1xf32> to vector<256x16xf32>
    %eq3A_173 = arith.cmpf oeq, %get3A_4, %eq3A_172 : vector<256x16xf32>
    %jit3A_174 = arith.constant -1.000000e+30 : f32
    %broadcast_in_dim3A_175 = vector.broadcast %jit3A_174 : f32 to vector<256x16xf32>
    %select_n3A_176 = arith.select %eq3A_173, %broadcast_in_dim3A_175, %select_n3A_154 : vector<256x16xi1>, vector<256x16xf32>
    %reduce_max3A_177 = arith.constant dense<0xFF800000> : vector<256xf32>
    %reduce_max3A_178 = vector.multi_reduction <maximumf>, %select_n3A_176, %reduce_max3A_177 [1] : vector<256x16xf32> to vector<256xf32>
    %broadcast_in_dim3A_179 = vector.shape_cast %reduce_max3A_178 : vector<256xf32> to vector<256x1xf32>
    %eq3A_180 = vector.broadcast %broadcast_in_dim3A_179 : vector<256x1xf32> to vector<256x16xf32>
    %eq3A_181 = arith.cmpf oeq, %select_n3A_176, %eq3A_180 : vector<256x16xf32>
    %jit3A_182 = arith.constant 1.280000e+03 : f32
    %broadcast_in_dim3A_183 = vector.broadcast %jit3A_182 : f32 to vector<256x16xf32>
    %select_n3A_184 = arith.select %eq3A_181, %get3A_4, %broadcast_in_dim3A_183 : vector<256x16xi1>, vector<256x16xf32>
    %reduce_min3A_185 = arith.constant dense<0x7F800000> : vector<256xf32>
    %reduce_min3A_186 = vector.multi_reduction <minimumf>, %select_n3A_184, %reduce_min3A_185 [1] : vector<256x16xf32> to vector<256xf32>
    %broadcast_in_dim3A_187 = vector.shape_cast %reduce_min3A_186 : vector<256xf32> to vector<256x1xf32>
    %eq3A_188 = arith.constant 8.000000e+00 : f32
    %eq3A_189 = vector.broadcast %eq3A_188 : f32 to vector<256x16xf32>
    %eq3A_190 = arith.cmpf oeq, %convert_element_type3A, %eq3A_189 : vector<256x16xf32>
    %broadcast_in_dim3A_191 = vector.shape_cast %broadcast_in_dim3A_187 : vector<256x1xf32> to vector<256x1xf32>
    %broadcast_in_dim3A_192 = vector.broadcast %broadcast_in_dim3A_191 : vector<256x1xf32> to vector<256x16xf32>
    %select_n3A_193 = arith.select %eq3A_190, %broadcast_in_dim3A_192, %select_n3A_171 : vector<256x16xi1>, vector<256x16xf32>
    %eq3A_194 = vector.broadcast %broadcast_in_dim3A_187 : vector<256x1xf32> to vector<256x16xf32>
    %eq3A_195 = arith.cmpf oeq, %get3A_4, %eq3A_194 : vector<256x16xf32>
    %jit3A_196 = arith.constant -1.000000e+30 : f32
    %broadcast_in_dim3A_197 = vector.broadcast %jit3A_196 : f32 to vector<256x16xf32>
    %select_n3A_198 = arith.select %eq3A_195, %broadcast_in_dim3A_197, %select_n3A_176 : vector<256x16xi1>, vector<256x16xf32>
    %reduce_max3A_199 = arith.constant dense<0xFF800000> : vector<256xf32>
    %reduce_max3A_200 = vector.multi_reduction <maximumf>, %select_n3A_198, %reduce_max3A_199 [1] : vector<256x16xf32> to vector<256xf32>
    %broadcast_in_dim3A_201 = vector.shape_cast %reduce_max3A_200 : vector<256xf32> to vector<256x1xf32>
    %eq3A_202 = vector.broadcast %broadcast_in_dim3A_201 : vector<256x1xf32> to vector<256x16xf32>
    %eq3A_203 = arith.cmpf oeq, %select_n3A_198, %eq3A_202 : vector<256x16xf32>
    %jit3A_204 = arith.constant 1.280000e+03 : f32
    %broadcast_in_dim3A_205 = vector.broadcast %jit3A_204 : f32 to vector<256x16xf32>
    %select_n3A_206 = arith.select %eq3A_203, %get3A_4, %broadcast_in_dim3A_205 : vector<256x16xi1>, vector<256x16xf32>
    %reduce_min3A_207 = arith.constant dense<0x7F800000> : vector<256xf32>
    %reduce_min3A_208 = vector.multi_reduction <minimumf>, %select_n3A_206, %reduce_min3A_207 [1] : vector<256x16xf32> to vector<256xf32>
    %broadcast_in_dim3A_209 = vector.shape_cast %reduce_min3A_208 : vector<256xf32> to vector<256x1xf32>
    %eq3A_210 = arith.constant 9.000000e+00 : f32
    %eq3A_211 = vector.broadcast %eq3A_210 : f32 to vector<256x16xf32>
    %eq3A_212 = arith.cmpf oeq, %convert_element_type3A, %eq3A_211 : vector<256x16xf32>
    %broadcast_in_dim3A_213 = vector.shape_cast %broadcast_in_dim3A_209 : vector<256x1xf32> to vector<256x1xf32>
    %broadcast_in_dim3A_214 = vector.broadcast %broadcast_in_dim3A_213 : vector<256x1xf32> to vector<256x16xf32>
    %select_n3A_215 = arith.select %eq3A_212, %broadcast_in_dim3A_214, %select_n3A_193 : vector<256x16xi1>, vector<256x16xf32>
    %swap3A = arith.constant 0 : index
    %swap3A_216 = arith.constant 0 : index
    %swap3A_217 = vector.load %arg3[%swap3A, %swap3A_216] : memref<256x16xf32, #tpu.memory_space<vmem>>, vector<256x16xf32>
    tpu.vector_store %arg3[%swap3A, %swap3A_216], %select_n3A_215 {strides = array<i32>} : memref<256x16xf32, #tpu.memory_space<vmem>>, vector<256x16xf32>,
    %transpose3A = tpu.transpose %select_n3A_215, [1, 0] : vector<256x16xf32> -> vector<16x256xf32>
    %swap3A_218 = arith.constant 0 : index
    %swap3A_219 = arith.constant 0 : index
    %swap3A_220 = vector.load %arg4[%swap3A_218, %swap3A_219] : memref<16x256xf32, #tpu.memory_space<vmem>>, vector<16x256xf32>
    tpu.vector_store %arg4[%swap3A_218, %swap3A_219], %transpose3A {strides = array<i32>} : memref<16x256xf32, #tpu.memory_space<vmem>>, vector<16x256xf32>,
    return
  }
  func.func @transform_0(%arg0: i32) -> (i32, i32) {
    %c0_i32 = arith.constant 0 : i32
    %c0_i32_0 = arith.constant 0 : i32
    return %arg0, %c0_i32 : i32, i32
  }
  func.func @transform_1(%arg0: i32) -> (i32, i32) {
    %c0_i32 = arith.constant 0 : i32
    %c0_i32_0 = arith.constant 0 : i32
    return %arg0, %c0_i32 : i32, i32
  }
  func.func @transform_2(%arg0: i32) -> (i32, i32) {
    %c0_i32 = arith.constant 0 : i32
    %c0_i32_0 = arith.constant 0 : i32
    return %arg0, %c0_i32 : i32, i32
  }
  func.func @transform_3(%arg0: i32) -> (i32, i32) {
    %c0_i32 = arith.constant 0 : i32
    %c0_i32_0 = arith.constant 0 : i32
    return %c0_i32, %arg0 : i32, i32
  }
}

module attributes {stable_mosaic.version = 14 : i64} {
  func.func @_comb_body(%arg0: i32, %arg1: memref<256x1280xf32, #tpu.memory_space<vmem>>, %arg2: memref<256x16xf32, #tpu.memory_space<vmem>>, %arg3: memref<16x1280xf32, #tpu.memory_space<vmem>>, %arg4: memref<1280x1024xf32, #tpu.memory_space<vmem>>, %arg5: memref<64x1024xf32, #tpu.memory_space<vmem>>, %arg6: memref<2xf32, #tpu.memory_space<smem>>, %arg7: memref<256x64xf32, #tpu.memory_space<vmem>>) attributes {dimension_semantics = [#tpu.dimension_semantics<arbitrary>], iteration_bounds = array<i64: 5>, scalar_prefetch = 0 : i64, scratch_operands = 0 : i64, tpu.core_type = #tpu.core_type<tc>, window_params = [{transform_indices = @transform_0, window_bounds = array<i64: 256, 1280>}, {transform_indices = @transform_1, window_bounds = array<i64: 256, 16>}, {pipeline_mode = #tpu.pipeline_mode<synchronous>, transform_indices = @transform_2, window_bounds = array<i64: 16, 1280>}, {pipeline_mode = #tpu.pipeline_mode<synchronous>, transform_indices = @transform_3, window_bounds = array<i64: 1280, 1024>}, {pipeline_mode = #tpu.pipeline_mode<synchronous>, transform_indices = @transform_4, window_bounds = array<i64: 64, 1024>}, {transform_indices = @transform_5, window_bounds = array<i64: 2>}, {transform_indices = @transform_6, window_bounds = array<i64: 256, 64>}]} {
    %get3A = arith.constant 0 : index
    %get3A_0 = arith.constant 0 : index
    %get3A_1 = vector.load %arg1[%get3A, %get3A_0] : memref<256x1280xf32, #tpu.memory_space<vmem>>, vector<256x1280xf32>
    %iota3A = tpu.iota {dimensions = array<i32: 1>} : vector<256x1280xi32>
    %convert_element_type3A = arith.sitofp %iota3A : vector<256x1280xi32> to vector<256x1280xf32>
    %broadcast_in_dim3A = arith.constant false
    %broadcast_in_dim3A_2 = vector.broadcast %broadcast_in_dim3A : i1 to vector<256x1280xi1>
    %broadcast_in_dim3A_3 = arith.constant false
    %broadcast_in_dim3A_4 = vector.broadcast %broadcast_in_dim3A_3 : i1 to vector<256x1280xi1>
    %iota3A_5 = tpu.iota {dimensions = array<i32: 0>} : vector<256x1280xi32>
    %convert_element_type3A_6 = arith.sitofp %iota3A_5 : vector<256x1280xi32> to vector<256x1280xf32>
    %convert_element_type3A_7 = arith.sitofp %arg0 : i32 to f32
    %mul3A = arith.constant 2.560000e+02 : f32
    %mul3A_8 = arith.mulf %mul3A, %convert_element_type3A_7 : f32
    %add3A = vector.broadcast %mul3A_8 : f32 to vector<256x1280xf32>
    %add3A_9 = arith.addf %convert_element_type3A_6, %add3A : vector<256x1280xf32>
    %get3A_10 = arith.constant 0 : index
    %get3A_11 = arith.constant 0 : index
    %get3A_12 = vector.load %arg2[%get3A_10, %get3A_11] : memref<256x16xf32, #tpu.memory_space<vmem>>, vector<256x1xf32>
    %eq3A = vector.broadcast %get3A_12 : vector<256x1xf32> to vector<256x1280xf32>
    %eq3A_13 = arith.cmpf oeq, %convert_element_type3A, %eq3A : vector<256x1280xf32>
    %or3A = arith.ori %broadcast_in_dim3A_2, %eq3A_13 : vector<256x1280xi1>
    %get3A_14 = arith.constant 0 : index
    %get3A_15 = arith.constant 0 : index
    %get3A_16 = vector.load %arg3[%get3A_14, %get3A_15] : memref<16x1280xf32, #tpu.memory_space<vmem>>, vector<1x1280xf32>
    %eq3A_17 = vector.broadcast %get3A_16 : vector<1x1280xf32> to vector<256x1280xf32>
    %eq3A_18 = arith.cmpf oeq, %eq3A_17, %add3A_9 : vector<256x1280xf32>
    %or3A_19 = arith.ori %broadcast_in_dim3A_4, %eq3A_18 : vector<256x1280xi1>
    %get3A_20 = arith.constant 0 : index
    %get3A_21 = arith.constant 1 : index
    %get3A_22 = vector.load %arg2[%get3A_20, %get3A_21] : memref<256x16xf32, #tpu.memory_space<vmem>>, vector<256x1xf32>
    %eq3A_23 = vector.broadcast %get3A_22 : vector<256x1xf32> to vector<256x1280xf32>
    %eq3A_24 = arith.cmpf oeq, %convert_element_type3A, %eq3A_23 : vector<256x1280xf32>
    %or3A_25 = arith.ori %or3A, %eq3A_24 : vector<256x1280xi1>
    %get3A_26 = arith.constant 1 : index
    %get3A_27 = arith.constant 0 : index
    %get3A_28 = vector.load %arg3[%get3A_26, %get3A_27] : memref<16x1280xf32, #tpu.memory_space<vmem>>, vector<1x1280xf32>
    %eq3A_29 = vector.broadcast %get3A_28 : vector<1x1280xf32> to vector<256x1280xf32>
    %eq3A_30 = arith.cmpf oeq, %eq3A_29, %add3A_9 : vector<256x1280xf32>
    %or3A_31 = arith.ori %or3A_19, %eq3A_30 : vector<256x1280xi1>
    %get3A_32 = arith.constant 0 : index
    %get3A_33 = arith.constant 2 : index
    %get3A_34 = vector.load %arg2[%get3A_32, %get3A_33] : memref<256x16xf32, #tpu.memory_space<vmem>>, vector<256x1xf32>
    %eq3A_35 = vector.broadcast %get3A_34 : vector<256x1xf32> to vector<256x1280xf32>
    %eq3A_36 = arith.cmpf oeq, %convert_element_type3A, %eq3A_35 : vector<256x1280xf32>
    %or3A_37 = arith.ori %or3A_25, %eq3A_36 : vector<256x1280xi1>
    %get3A_38 = arith.constant 2 : index
    %get3A_39 = arith.constant 0 : index
    %get3A_40 = vector.load %arg3[%get3A_38, %get3A_39] : memref<16x1280xf32, #tpu.memory_space<vmem>>, vector<1x1280xf32>
    %eq3A_41 = vector.broadcast %get3A_40 : vector<1x1280xf32> to vector<256x1280xf32>
    %eq3A_42 = arith.cmpf oeq, %eq3A_41, %add3A_9 : vector<256x1280xf32>
    %or3A_43 = arith.ori %or3A_31, %eq3A_42 : vector<256x1280xi1>
    %get3A_44 = arith.constant 0 : index
    %get3A_45 = arith.constant 3 : index
    %get3A_46 = vector.load %arg2[%get3A_44, %get3A_45] : memref<256x16xf32, #tpu.memory_space<vmem>>, vector<256x1xf32>
    %eq3A_47 = vector.broadcast %get3A_46 : vector<256x1xf32> to vector<256x1280xf32>
    %eq3A_48 = arith.cmpf oeq, %convert_element_type3A, %eq3A_47 : vector<256x1280xf32>
    %or3A_49 = arith.ori %or3A_37, %eq3A_48 : vector<256x1280xi1>
    %get3A_50 = arith.constant 3 : index
    %get3A_51 = arith.constant 0 : index
    %get3A_52 = vector.load %arg3[%get3A_50, %get3A_51] : memref<16x1280xf32, #tpu.memory_space<vmem>>, vector<1x1280xf32>
    %eq3A_53 = vector.broadcast %get3A_52 : vector<1x1280xf32> to vector<256x1280xf32>
    %eq3A_54 = arith.cmpf oeq, %eq3A_53, %add3A_9 : vector<256x1280xf32>
    %or3A_55 = arith.ori %or3A_43, %eq3A_54 : vector<256x1280xi1>
    %get3A_56 = arith.constant 0 : index
    %get3A_57 = arith.constant 4 : index
    %get3A_58 = vector.load %arg2[%get3A_56, %get3A_57] : memref<256x16xf32, #tpu.memory_space<vmem>>, vector<256x1xf32>
    %eq3A_59 = vector.broadcast %get3A_58 : vector<256x1xf32> to vector<256x1280xf32>
    %eq3A_60 = arith.cmpf oeq, %convert_element_type3A, %eq3A_59 : vector<256x1280xf32>
    %or3A_61 = arith.ori %or3A_49, %eq3A_60 : vector<256x1280xi1>
    %get3A_62 = arith.constant 4 : index
    %get3A_63 = arith.constant 0 : index
    %get3A_64 = vector.load %arg3[%get3A_62, %get3A_63] : memref<16x1280xf32, #tpu.memory_space<vmem>>, vector<1x1280xf32>
    %eq3A_65 = vector.broadcast %get3A_64 : vector<1x1280xf32> to vector<256x1280xf32>
    %eq3A_66 = arith.cmpf oeq, %eq3A_65, %add3A_9 : vector<256x1280xf32>
    %or3A_67 = arith.ori %or3A_55, %eq3A_66 : vector<256x1280xi1>
    %get3A_68 = arith.constant 0 : index
    %get3A_69 = arith.constant 5 : index
    %get3A_70 = vector.load %arg2[%get3A_68, %get3A_69] : memref<256x16xf32, #tpu.memory_space<vmem>>, vector<256x1xf32>
    %eq3A_71 = vector.broadcast %get3A_70 : vector<256x1xf32> to vector<256x1280xf32>
    %eq3A_72 = arith.cmpf oeq, %convert_element_type3A, %eq3A_71 : vector<256x1280xf32>
    %or3A_73 = arith.ori %or3A_61, %eq3A_72 : vector<256x1280xi1>
    %get3A_74 = arith.constant 5 : index
    %get3A_75 = arith.constant 0 : index
    %get3A_76 = vector.load %arg3[%get3A_74, %get3A_75] : memref<16x1280xf32, #tpu.memory_space<vmem>>, vector<1x1280xf32>
    %eq3A_77 = vector.broadcast %get3A_76 : vector<1x1280xf32> to vector<256x1280xf32>
    %eq3A_78 = arith.cmpf oeq, %eq3A_77, %add3A_9 : vector<256x1280xf32>
    %or3A_79 = arith.ori %or3A_67, %eq3A_78 : vector<256x1280xi1>
    %get3A_80 = arith.constant 0 : index
    %get3A_81 = arith.constant 6 : index
    %get3A_82 = vector.load %arg2[%get3A_80, %get3A_81] : memref<256x16xf32, #tpu.memory_space<vmem>>, vector<256x1xf32>
    %eq3A_83 = vector.broadcast %get3A_82 : vector<256x1xf32> to vector<256x1280xf32>
    %eq3A_84 = arith.cmpf oeq, %convert_element_type3A, %eq3A_83 : vector<256x1280xf32>
    %or3A_85 = arith.ori %or3A_73, %eq3A_84 : vector<256x1280xi1>
    %get3A_86 = arith.constant 6 : index
    %get3A_87 = arith.constant 0 : index
    %get3A_88 = vector.load %arg3[%get3A_86, %get3A_87] : memref<16x1280xf32, #tpu.memory_space<vmem>>, vector<1x1280xf32>
    %eq3A_89 = vector.broadcast %get3A_88 : vector<1x1280xf32> to vector<256x1280xf32>
    %eq3A_90 = arith.cmpf oeq, %eq3A_89, %add3A_9 : vector<256x1280xf32>
    %or3A_91 = arith.ori %or3A_79, %eq3A_90 : vector<256x1280xi1>
    %get3A_92 = arith.constant 0 : index
    %get3A_93 = arith.constant 7 : index
    %get3A_94 = vector.load %arg2[%get3A_92, %get3A_93] : memref<256x16xf32, #tpu.memory_space<vmem>>, vector<256x1xf32>
    %eq3A_95 = vector.broadcast %get3A_94 : vector<256x1xf32> to vector<256x1280xf32>
    %eq3A_96 = arith.cmpf oeq, %convert_element_type3A, %eq3A_95 : vector<256x1280xf32>
    %or3A_97 = arith.ori %or3A_85, %eq3A_96 : vector<256x1280xi1>
    %get3A_98 = arith.constant 7 : index
    %get3A_99 = arith.constant 0 : index
    %get3A_100 = vector.load %arg3[%get3A_98, %get3A_99] : memref<16x1280xf32, #tpu.memory_space<vmem>>, vector<1x1280xf32>
    %eq3A_101 = vector.broadcast %get3A_100 : vector<1x1280xf32> to vector<256x1280xf32>
    %eq3A_102 = arith.cmpf oeq, %eq3A_101, %add3A_9 : vector<256x1280xf32>
    %or3A_103 = arith.ori %or3A_91, %eq3A_102 : vector<256x1280xi1>
    %get3A_104 = arith.constant 0 : index
    %get3A_105 = arith.constant 8 : index
    %get3A_106 = vector.load %arg2[%get3A_104, %get3A_105] : memref<256x16xf32, #tpu.memory_space<vmem>>, vector<256x1xf32>
    %eq3A_107 = vector.broadcast %get3A_106 : vector<256x1xf32> to vector<256x1280xf32>
    %eq3A_108 = arith.cmpf oeq, %convert_element_type3A, %eq3A_107 : vector<256x1280xf32>
    %or3A_109 = arith.ori %or3A_97, %eq3A_108 : vector<256x1280xi1>
    %get3A_110 = arith.constant 8 : index
    %get3A_111 = arith.constant 0 : index
    %get3A_112 = vector.load %arg3[%get3A_110, %get3A_111] : memref<16x1280xf32, #tpu.memory_space<vmem>>, vector<1x1280xf32>
    %eq3A_113 = vector.broadcast %get3A_112 : vector<1x1280xf32> to vector<256x1280xf32>
    %eq3A_114 = arith.cmpf oeq, %eq3A_113, %add3A_9 : vector<256x1280xf32>
    %or3A_115 = arith.ori %or3A_103, %eq3A_114 : vector<256x1280xi1>
    %get3A_116 = arith.constant 0 : index
    %get3A_117 = arith.constant 9 : index
    %get3A_118 = vector.load %arg2[%get3A_116, %get3A_117] : memref<256x16xf32, #tpu.memory_space<vmem>>, vector<256x1xf32>
    %eq3A_119 = vector.broadcast %get3A_118 : vector<256x1xf32> to vector<256x1280xf32>
    %eq3A_120 = arith.cmpf oeq, %convert_element_type3A, %eq3A_119 : vector<256x1280xf32>
    %or3A_121 = arith.ori %or3A_109, %eq3A_120 : vector<256x1280xi1>
    %get3A_122 = arith.constant 9 : index
    %get3A_123 = arith.constant 0 : index
    %get3A_124 = vector.load %arg3[%get3A_122, %get3A_123] : memref<16x1280xf32, #tpu.memory_space<vmem>>, vector<1x1280xf32>
    %eq3A_125 = vector.broadcast %get3A_124 : vector<1x1280xf32> to vector<256x1280xf32>
    %eq3A_126 = arith.cmpf oeq, %eq3A_125, %add3A_9 : vector<256x1280xf32>
    %or3A_127 = arith.ori %or3A_115, %eq3A_126 : vector<256x1280xi1>
    %and3A = arith.andi %or3A_121, %or3A_127 : vector<256x1280xi1>
    %jit3A = arith.constant -1.000000e+30 : f32
    %broadcast_in_dim3A_128 = vector.broadcast %jit3A : f32 to vector<256x1280xf32>
    %select_n3A = arith.select %and3A, %get3A_1, %broadcast_in_dim3A_128 : vector<256x1280xi1>, vector<256x1280xf32>
    %reduce_max3A = arith.constant dense<0xFF800000> : vector<256xf32>
    %reduce_max3A_129 = vector.multi_reduction <maximumf>, %select_n3A, %reduce_max3A [1] : vector<256x1280xf32> to vector<256xf32>
    %broadcast_in_dim3A_130 = vector.shape_cast %reduce_max3A_129 : vector<256xf32> to vector<256x1xf32>
    %sub3A = vector.broadcast %broadcast_in_dim3A_130 : vector<256x1xf32> to vector<256x1280xf32>
    %sub3A_131 = arith.subf %select_n3A, %sub3A : vector<256x1280xf32>
    %exp3A = math.exp %sub3A_131 : vector<256x1280xf32>
    %reduce_sum3A = arith.constant dense<0.000000e+00> : vector<256xf32>
    %reduce_sum3A_132 = vector.multi_reduction <add>, %exp3A, %reduce_sum3A [1] : vector<256x1280xf32> to vector<256xf32>
    %broadcast_in_dim3A_133 = vector.shape_cast %reduce_sum3A_132 : vector<256xf32> to vector<256x1xf32>
    %div3A = vector.broadcast %broadcast_in_dim3A_133 : vector<256x1xf32> to vector<256x1280xf32>
    %div3A_134 = arith.divf %exp3A, %div3A : vector<256x1280xf32>
    %get3A_135 = arith.constant 0 : index
    %get3A_136 = arith.constant 0 : index
    %get3A_137 = vector.load %arg4[%get3A_135, %get3A_136] : memref<1280x1024xf32, #tpu.memory_space<vmem>>, vector<1280x1024xf32>
    %dot_general3A = arith.constant dense<0.000000e+00> : vector<256x1024xf32>
    %dot_general3A_138 = tpu.matmul %div3A_134, %get3A_137, %dot_general3A {dimension_numbers = #tpu.dot_dimension_numbers<[1], [0], [0], [1], [0, 0, 1, 1], [], []>, transpose_lhs_hint = false} : vector<256x1280xf32>, vector<1280x1024xf32>, vector<256x1024xf32> -> vector<256x1024xf32>
    %get3A_139 = arith.constant 0 : index
    %get3A_140 = arith.constant 0 : index
    %get3A_141 = vector.load %arg5[%get3A_139, %get3A_140] : memref<64x1024xf32, #tpu.memory_space<vmem>>, vector<64x1024xf32>
    %mul3A_142 = arith.mulf %get3A_141, %get3A_141 : vector<64x1024xf32>
    %reduce_sum3A_143 = arith.constant dense<0.000000e+00> : vector<64xf32>
    %reduce_sum3A_144 = vector.multi_reduction <add>, %mul3A_142, %reduce_sum3A_143 [1] : vector<64x1024xf32> to vector<64xf32>
    %mul3A_145 = arith.mulf %dot_general3A_138, %dot_general3A_138 : vector<256x1024xf32>
    %reduce_sum3A_146 = arith.constant dense<0.000000e+00> : vector<256xf32>
    %reduce_sum3A_147 = vector.multi_reduction <add>, %mul3A_145, %reduce_sum3A_146 [1] : vector<256x1024xf32> to vector<256xf32>
    %broadcast_in_dim3A_148 = vector.shape_cast %reduce_sum3A_147 : vector<256xf32> to vector<256x1xf32>
    %dot_general3A_149 = arith.constant dense<0.000000e+00> : vector<256x64xf32>
    %dot_general3A_150 = tpu.matmul %dot_general3A_138, %get3A_141, %dot_general3A_149 {dimension_numbers = #tpu.dot_dimension_numbers<[1], [1], [0], [0], [0, 0, 1, 0], [], []>, transpose_lhs_hint = false} : vector<256x1024xf32>, vector<64x1024xf32>, vector<256x64xf32> -> vector<256x64xf32>
    %mul3A_151 = arith.constant 2.000000e+00 : f32
    %mul3A_152 = vector.broadcast %mul3A_151 : f32 to vector<256x64xf32>
    %mul3A_153 = arith.mulf %mul3A_152, %dot_general3A_150 : vector<256x64xf32>
    %sub3A_154 = vector.broadcast %broadcast_in_dim3A_148 : vector<256x1xf32> to vector<256x64xf32>
    %sub3A_155 = arith.subf %mul3A_153, %sub3A_154 : vector<256x64xf32>
    %broadcast_in_dim3A_156 = vector.shape_cast %reduce_sum3A_144 : vector<64xf32> to vector<1x64xf32>
    %sub3A_157 = vector.broadcast %broadcast_in_dim3A_156 : vector<1x64xf32> to vector<256x64xf32>
    %sub3A_158 = arith.subf %sub3A_155, %sub3A_157 : vector<256x64xf32>
    %get3A_159 = arith.constant 0 : index
    %get3A_160 = memref.load %arg6[%get3A_159] : memref<2xf32, #tpu.memory_space<smem>>
    %mul3A_161 = vector.broadcast %get3A_160 : f32 to vector<256x64xf32>
    %mul3A_162 = arith.mulf %mul3A_161, %sub3A_158 : vector<256x64xf32>
    %get3A_163 = arith.constant 1 : index
    %get3A_164 = memref.load %arg6[%get3A_163] : memref<2xf32, #tpu.memory_space<smem>>
    %add3A_165 = vector.broadcast %get3A_164 : f32 to vector<256x64xf32>
    %add3A_166 = arith.addf %mul3A_162, %add3A_165 : vector<256x64xf32>
    %swap3A = arith.constant 0 : index
    %swap3A_167 = arith.constant 0 : index
    %swap3A_168 = vector.load %arg7[%swap3A, %swap3A_167] : memref<256x64xf32, #tpu.memory_space<vmem>>, vector<256x64xf32>
    tpu.vector_store %arg7[%swap3A, %swap3A_167], %add3A_166 {strides = array<i32>} : memref<256x64xf32, #tpu.memory_space<vmem>>, vector<256x64xf32>,
    return
  }
  func.func @transform_0(%arg0: i32) -> (i32, i32) {
    %c0_i32 = arith.constant 0 : i32
    %c0_i32_0 = arith.constant 0 : i32
    return %arg0, %c0_i32 : i32, i32
  }
  func.func @transform_1(%arg0: i32) -> (i32, i32) {
    %c0_i32 = arith.constant 0 : i32
    %c0_i32_0 = arith.constant 0 : i32
    return %arg0, %c0_i32 : i32, i32
  }
  func.func @transform_2(%arg0: i32) -> (i32, i32) {
    %c0_i32 = arith.constant 0 : i32
    %c0_i32_0 = arith.constant 0 : i32
    %c0_i32_1 = arith.constant 0 : i32
    return %c0_i32, %c0_i32_0 : i32, i32
  }
  func.func @transform_3(%arg0: i32) -> (i32, i32) {
    %c0_i32 = arith.constant 0 : i32
    %c0_i32_0 = arith.constant 0 : i32
    %c0_i32_1 = arith.constant 0 : i32
    return %c0_i32, %c0_i32_0 : i32, i32
  }
  func.func @transform_4(%arg0: i32) -> (i32, i32) {
    %c0_i32 = arith.constant 0 : i32
    %c0_i32_0 = arith.constant 0 : i32
    %c0_i32_1 = arith.constant 0 : i32
    return %c0_i32, %c0_i32_0 : i32, i32
  }
  func.func @transform_5(%arg0: i32) -> i32 {
    %c0_i32 = arith.constant 0 : i32
    %c0_i32_0 = arith.constant 0 : i32
    return %c0_i32 : i32
  }
  func.func @transform_6(%arg0: i32) -> (i32, i32) {
    %c0_i32 = arith.constant 0 : i32
    %c0_i32_0 = arith.constant 0 : i32
    return %arg0, %c0_i32 : i32, i32
  }
}

module attributes {stable_mosaic.version = 14 : i64} {
  func.func @_tc1_body(%arg0: i32, %arg1: memref<200x2048xf32, #tpu.memory_space<vmem>>, %arg2: memref<2048x1024xf32, #tpu.memory_space<vmem>>, %arg3: memref<1x1024xf32, #tpu.memory_space<vmem>>, %arg4: memref<256x1280xf32, #tpu.memory_space<vmem>>, %arg5: memref<1280x1024xf32, #tpu.memory_space<vmem>>, %arg6: memref<64x1024xf32, #tpu.memory_space<vmem>>, %arg7: memref<64x5120xf32, #tpu.memory_space<vmem>>) attributes {dimension_semantics = [#tpu.dimension_semantics<arbitrary>], iteration_bounds = array<i64: 13>, scalar_prefetch = 0 : i64, scratch_operands = 1 : i64, tpu.core_type = #tpu.core_type<tc>, window_params = [{transform_indices = @transform_0, window_bounds = array<i64: 200, 2048>}, {pipeline_mode = #tpu.pipeline_mode<synchronous>, transform_indices = @transform_1, window_bounds = array<i64: 2048, 1024>}, {pipeline_mode = #tpu.pipeline_mode<synchronous>, transform_indices = @transform_2, window_bounds = array<i64: 1, 1024>}, {transform_indices = @transform_3, window_bounds = array<i64: 256, 1280>}, {pipeline_mode = #tpu.pipeline_mode<synchronous>, transform_indices = @transform_4, window_bounds = array<i64: 1280, 1024>}, {pipeline_mode = #tpu.pipeline_mode<synchronous>, transform_indices = @transform_5, window_bounds = array<i64: 64, 1024>}]} {
    %lt3A = arith.constant 8 : i32
    %lt3A_0 = arith.cmpi slt, %arg0, %lt3A : i32
    %convert_element_type3A = arith.extui %lt3A_0 : i1 to i32
    %cond3A = arith.constant 0 : i32
    %cond3A_1 = arith.cmpi ne, %convert_element_type3A, %cond3A : i32
    scf.if %cond3A_1 {
      %get3A = arith.constant 0 : index
      %get3A_6 = arith.constant 0 : index
      %get3A_7 = vector.load %arg1[%get3A, %get3A_6] : memref<200x2048xf32, #tpu.memory_space<vmem>>, vector<200x2048xf32>
      %get3A_8 = arith.constant 0 : index
      %get3A_9 = arith.constant 0 : index
      %get3A_10 = vector.load %arg2[%get3A_8, %get3A_9] : memref<2048x1024xf32, #tpu.memory_space<vmem>>, vector<2048x1024xf32>
      %dot_general3A = arith.constant dense<0.000000e+00> : vector<200x1024xf32>
      %dot_general3A_11 = tpu.matmul %get3A_7, %get3A_10, %dot_general3A {dimension_numbers = #tpu.dot_dimension_numbers<[1], [0], [0], [1], [0, 0, 1, 1], [], []>, transpose_lhs_hint = false} : vector<200x2048xf32>, vector<2048x1024xf32>, vector<200x1024xf32> -> vector<200x1024xf32>
      %get3A_12 = arith.constant 0 : index
      %get3A_13 = arith.constant 0 : index
      %get3A_14 = vector.load %arg3[%get3A_12, %get3A_13] : memref<1x1024xf32, #tpu.memory_space<vmem>>, vector<1x1024xf32>
      %add3A = vector.broadcast %get3A_14 : vector<1x1024xf32> to vector<200x1024xf32>
      %add3A_15 = arith.addf %dot_general3A_11, %add3A : vector<200x1024xf32>
      %mul3A = arith.constant 160 : i32
      %mul3A_16 = arith.muli %arg0, %mul3A : i32
      %multiple_of3A = tpu.assume_multiple %mul3A_16, 160 : i32
      %mul3A_17 = arith.constant 8 : i32
      %mul3A_18 = arith.muli %arg0, %mul3A_17 : i32
      %multiple_of3A_19 = tpu.assume_multiple %mul3A_18, 8 : i32
      %slice3A = vector.extract_strided_slice %add3A_15 {offsets = [5, 0], sizes = [20, 1024], strides = [1, 1]} : vector<200x1024xf32> to vector<20x1024xf32>
      %slice3A_20 = vector.extract_strided_slice %add3A_15 {offsets = [30, 0], sizes = [20, 1024], strides = [1, 1]} : vector<200x1024xf32> to vector<20x1024xf32>
      %slice3A_21 = vector.extract_strided_slice %add3A_15 {offsets = [55, 0], sizes = [20, 1024], strides = [1, 1]} : vector<200x1024xf32> to vector<20x1024xf32>
      %slice3A_22 = vector.extract_strided_slice %add3A_15 {offsets = [80, 0], sizes = [20, 1024], strides = [1, 1]} : vector<200x1024xf32> to vector<20x1024xf32>
      %slice3A_23 = vector.extract_strided_slice %add3A_15 {offsets = [105, 0], sizes = [20, 1024], strides = [1, 1]} : vector<200x1024xf32> to vector<20x1024xf32>
      %slice3A_24 = vector.extract_strided_slice %add3A_15 {offsets = [130, 0], sizes = [20, 1024], strides = [1, 1]} : vector<200x1024xf32> to vector<20x1024xf32>
      %slice3A_25 = vector.extract_strided_slice %add3A_15 {offsets = [155, 0], sizes = [20, 1024], strides = [1, 1]} : vector<200x1024xf32> to vector<20x1024xf32>
      %slice3A_26 = vector.extract_strided_slice %add3A_15 {offsets = [180, 0], sizes = [20, 1024], strides = [1, 1]} : vector<200x1024xf32> to vector<20x1024xf32>
      %concatenate3A = tpu.concatenate %slice3A, %slice3A_20, %slice3A_21, %slice3A_22, %slice3A_23, %slice3A_24, %slice3A_25, %slice3A_26 in 0 : vector<20x1024xf32>, vector<20x1024xf32>, vector<20x1024xf32>, vector<20x1024xf32>, vector<20x1024xf32>, vector<20x1024xf32>, vector<20x1024xf32>, vector<20x1024xf32> -> vector<160x1024xf32>
      %swap3A = arith.index_cast %multiple_of3A : i32 to index
      %swap3A_27 = arith.constant 0 : index
      %swap3A_28 = vector.load %arg5[%swap3A, %swap3A_27] : memref<1280x1024xf32, #tpu.memory_space<vmem>>, vector<160x1024xf32>
      tpu.vector_store %arg5[%swap3A, %swap3A_27], %concatenate3A {strides = array<i32>} : memref<1280x1024xf32, #tpu.memory_space<vmem>>, vector<160x1024xf32>,
      %slice3A_29 = vector.extract_strided_slice %add3A_15 {offsets = [0, 0], sizes = [1, 1024], strides = [1, 1]} : vector<200x1024xf32> to vector<1x1024xf32>
      %slice3A_30 = vector.extract_strided_slice %add3A_15 {offsets = [1, 0], sizes = [1, 1024], strides = [1, 1]} : vector<200x1024xf32> to vector<1x1024xf32>
      %slice3A_31 = vector.extract_strided_slice %add3A_15 {offsets = [2, 0], sizes = [1, 1024], strides = [1, 1]} : vector<200x1024xf32> to vector<1x1024xf32>
      %slice3A_32 = vector.extract_strided_slice %add3A_15 {offsets = [3, 0], sizes = [1, 1024], strides = [1, 1]} : vector<200x1024xf32> to vector<1x1024xf32>
      %slice3A_33 = vector.extract_strided_slice %add3A_15 {offsets = [4, 0], sizes = [1, 1024], strides = [1, 1]} : vector<200x1024xf32> to vector<1x1024xf32>
      %concatenate3A_34 = tpu.concatenate %slice3A_29, %slice3A_30, %slice3A_31, %slice3A_32, %slice3A_33 in 1 : vector<1x1024xf32>, vector<1x1024xf32>, vector<1x1024xf32>, vector<1x1024xf32>, vector<1x1024xf32> -> vector<1x5120xf32>
      %slice3A_35 = vector.extract_strided_slice %add3A_15 {offsets = [25, 0], sizes = [1, 1024], strides = [1, 1]} : vector<200x1024xf32> to vector<1x1024xf32>
      %slice3A_36 = vector.extract_strided_slice %add3A_15 {offsets = [26, 0], sizes = [1, 1024], strides = [1, 1]} : vector<200x1024xf32> to vector<1x1024xf32>
      %slice3A_37 = vector.extract_strided_slice %add3A_15 {offsets = [27, 0], sizes = [1, 1024], strides = [1, 1]} : vector<200x1024xf32> to vector<1x1024xf32>
      %slice3A_38 = vector.extract_strided_slice %add3A_15 {offsets = [28, 0], sizes = [1, 1024], strides = [1, 1]} : vector<200x1024xf32> to vector<1x1024xf32>
      %slice3A_39 = vector.extract_strided_slice %add3A_15 {offsets = [29, 0], sizes = [1, 1024], strides = [1, 1]} : vector<200x1024xf32> to vector<1x1024xf32>
      %concatenate3A_40 = tpu.concatenate %slice3A_35, %slice3A_36, %slice3A_37, %slice3A_38, %slice3A_39 in 1 : vector<1x1024xf32>, vector<1x1024xf32>, vector<1x1024xf32>, vector<1x1024xf32>, vector<1x1024xf32> -> vector<1x5120xf32>
      %slice3A_41 = vector.extract_strided_slice %add3A_15 {offsets = [50, 0], sizes = [1, 1024], strides = [1, 1]} : vector<200x1024xf32> to vector<1x1024xf32>
      %slice3A_42 = vector.extract_strided_slice %add3A_15 {offsets = [51, 0], sizes = [1, 1024], strides = [1, 1]} : vector<200x1024xf32> to vector<1x1024xf32>
      %slice3A_43 = vector.extract_strided_slice %add3A_15 {offsets = [52, 0], sizes = [1, 1024], strides = [1, 1]} : vector<200x1024xf32> to vector<1x1024xf32>
      %slice3A_44 = vector.extract_strided_slice %add3A_15 {offsets = [53, 0], sizes = [1, 1024], strides = [1, 1]} : vector<200x1024xf32> to vector<1x1024xf32>
      %slice3A_45 = vector.extract_strided_slice %add3A_15 {offsets = [54, 0], sizes = [1, 1024], strides = [1, 1]} : vector<200x1024xf32> to vector<1x1024xf32>
      %concatenate3A_46 = tpu.concatenate %slice3A_41, %slice3A_42, %slice3A_43, %slice3A_44, %slice3A_45 in 1 : vector<1x1024xf32>, vector<1x1024xf32>, vector<1x1024xf32>, vector<1x1024xf32>, vector<1x1024xf32> -> vector<1x5120xf32>
      %slice3A_47 = vector.extract_strided_slice %add3A_15 {offsets = [75, 0], sizes = [1, 1024], strides = [1, 1]} : vector<200x1024xf32> to vector<1x1024xf32>
      %slice3A_48 = vector.extract_strided_slice %add3A_15 {offsets = [76, 0], sizes = [1, 1024], strides = [1, 1]} : vector<200x1024xf32> to vector<1x1024xf32>
      %slice3A_49 = vector.extract_strided_slice %add3A_15 {offsets = [77, 0], sizes = [1, 1024], strides = [1, 1]} : vector<200x1024xf32> to vector<1x1024xf32>
      %slice3A_50 = vector.extract_strided_slice %add3A_15 {offsets = [78, 0], sizes = [1, 1024], strides = [1, 1]} : vector<200x1024xf32> to vector<1x1024xf32>
      %slice3A_51 = vector.extract_strided_slice %add3A_15 {offsets = [79, 0], sizes = [1, 1024], strides = [1, 1]} : vector<200x1024xf32> to vector<1x1024xf32>
      %concatenate3A_52 = tpu.concatenate %slice3A_47, %slice3A_48, %slice3A_49, %slice3A_50, %slice3A_51 in 1 : vector<1x1024xf32>, vector<1x1024xf32>, vector<1x1024xf32>, vector<1x1024xf32>, vector<1x1024xf32> -> vector<1x5120xf32>
      %slice3A_53 = vector.extract_strided_slice %add3A_15 {offsets = [100, 0], sizes = [1, 1024], strides = [1, 1]} : vector<200x1024xf32> to vector<1x1024xf32>
      %slice3A_54 = vector.extract_strided_slice %add3A_15 {offsets = [101, 0], sizes = [1, 1024], strides = [1, 1]} : vector<200x1024xf32> to vector<1x1024xf32>
      %slice3A_55 = vector.extract_strided_slice %add3A_15 {offsets = [102, 0], sizes = [1, 1024], strides = [1, 1]} : vector<200x1024xf32> to vector<1x1024xf32>
      %slice3A_56 = vector.extract_strided_slice %add3A_15 {offsets = [103, 0], sizes = [1, 1024], strides = [1, 1]} : vector<200x1024xf32> to vector<1x1024xf32>
      %slice3A_57 = vector.extract_strided_slice %add3A_15 {offsets = [104, 0], sizes = [1, 1024], strides = [1, 1]} : vector<200x1024xf32> to vector<1x1024xf32>
      %concatenate3A_58 = tpu.concatenate %slice3A_53, %slice3A_54, %slice3A_55, %slice3A_56, %slice3A_57 in 1 : vector<1x1024xf32>, vector<1x1024xf32>, vector<1x1024xf32>, vector<1x1024xf32>, vector<1x1024xf32> -> vector<1x5120xf32>
      %slice3A_59 = vector.extract_strided_slice %add3A_15 {offsets = [125, 0], sizes = [1, 1024], strides = [1, 1]} : vector<200x1024xf32> to vector<1x1024xf32>
      %slice3A_60 = vector.extract_strided_slice %add3A_15 {offsets = [126, 0], sizes = [1, 1024], strides = [1, 1]} : vector<200x1024xf32> to vector<1x1024xf32>
      %slice3A_61 = vector.extract_strided_slice %add3A_15 {offsets = [127, 0], sizes = [1, 1024], strides = [1, 1]} : vector<200x1024xf32> to vector<1x1024xf32>
      %slice3A_62 = vector.extract_strided_slice %add3A_15 {offsets = [128, 0], sizes = [1, 1024], strides = [1, 1]} : vector<200x1024xf32> to vector<1x1024xf32>
      %slice3A_63 = vector.extract_strided_slice %add3A_15 {offsets = [129, 0], sizes = [1, 1024], strides = [1, 1]} : vector<200x1024xf32> to vector<1x1024xf32>
      %concatenate3A_64 = tpu.concatenate %slice3A_59, %slice3A_60, %slice3A_61, %slice3A_62, %slice3A_63 in 1 : vector<1x1024xf32>, vector<1x1024xf32>, vector<1x1024xf32>, vector<1x1024xf32>, vector<1x1024xf32> -> vector<1x5120xf32>
      %slice3A_65 = vector.extract_strided_slice %add3A_15 {offsets = [150, 0], sizes = [1, 1024], strides = [1, 1]} : vector<200x1024xf32> to vector<1x1024xf32>
      %slice3A_66 = vector.extract_strided_slice %add3A_15 {offsets = [151, 0], sizes = [1, 1024], strides = [1, 1]} : vector<200x1024xf32> to vector<1x1024xf32>
      %slice3A_67 = vector.extract_strided_slice %add3A_15 {offsets = [152, 0], sizes = [1, 1024], strides = [1, 1]} : vector<200x1024xf32> to vector<1x1024xf32>
      %slice3A_68 = vector.extract_strided_slice %add3A_15 {offsets = [153, 0], sizes = [1, 1024], strides = [1, 1]} : vector<200x1024xf32> to vector<1x1024xf32>
      %slice3A_69 = vector.extract_strided_slice %add3A_15 {offsets = [154, 0], sizes = [1, 1024], strides = [1, 1]} : vector<200x1024xf32> to vector<1x1024xf32>
      %concatenate3A_70 = tpu.concatenate %slice3A_65, %slice3A_66, %slice3A_67, %slice3A_68, %slice3A_69 in 1 : vector<1x1024xf32>, vector<1x1024xf32>, vector<1x1024xf32>, vector<1x1024xf32>, vector<1x1024xf32> -> vector<1x5120xf32>
      %slice3A_71 = vector.extract_strided_slice %add3A_15 {offsets = [175, 0], sizes = [1, 1024], strides = [1, 1]} : vector<200x1024xf32> to vector<1x1024xf32>
      %slice3A_72 = vector.extract_strided_slice %add3A_15 {offsets = [176, 0], sizes = [1, 1024], strides = [1, 1]} : vector<200x1024xf32> to vector<1x1024xf32>
      %slice3A_73 = vector.extract_strided_slice %add3A_15 {offsets = [177, 0], sizes = [1, 1024], strides = [1, 1]} : vector<200x1024xf32> to vector<1x1024xf32>
      %slice3A_74 = vector.extract_strided_slice %add3A_15 {offsets = [178, 0], sizes = [1, 1024], strides = [1, 1]} : vector<200x1024xf32> to vector<1x1024xf32>
      %slice3A_75 = vector.extract_strided_slice %add3A_15 {offsets = [179, 0], sizes = [1, 1024], strides = [1, 1]} : vector<200x1024xf32> to vector<1x1024xf32>
      %concatenate3A_76 = tpu.concatenate %slice3A_71, %slice3A_72, %slice3A_73, %slice3A_74, %slice3A_75 in 1 : vector<1x1024xf32>, vector<1x1024xf32>, vector<1x1024xf32>, vector<1x1024xf32>, vector<1x1024xf32> -> vector<1x5120xf32>
      %concatenate3A_77 = tpu.concatenate %concatenate3A_34, %concatenate3A_40, %concatenate3A_46, %concatenate3A_52, %concatenate3A_58, %concatenate3A_64, %concatenate3A_70, %concatenate3A_76 in 0 : vector<1x5120xf32>, vector<1x5120xf32>, vector<1x5120xf32>, vector<1x5120xf32>, vector<1x5120xf32>, vector<1x5120xf32>, vector<1x5120xf32>, vector<1x5120xf32> -> vector<8x5120xf32>
      %swap3A_78 = arith.index_cast %multiple_of3A_19 : i32 to index
      %swap3A_79 = arith.constant 0 : index
      %swap3A_80 = vector.load %arg7[%swap3A_78, %swap3A_79] : memref<64x5120xf32, #tpu.memory_space<vmem>>, vector<8x5120xf32>
      tpu.vector_store %arg7[%swap3A_78, %swap3A_79], %concatenate3A_77 {strides = array<i32>} : memref<64x5120xf32, #tpu.memory_space<vmem>>, vector<8x5120xf32>,
    } else {
    }
    %ge3A = arith.constant 8 : i32
    %ge3A_2 = arith.cmpi sge, %arg0, %ge3A : i32
    %convert_element_type3A_3 = arith.extui %ge3A_2 : i1 to i32
    %cond3A_4 = arith.constant 0 : i32
    %cond3A_5 = arith.cmpi ne, %convert_element_type3A_3, %cond3A_4 : i32
    scf.if %cond3A_5 {
      %sub3A = arith.constant 8 : i32
      %sub3A_6 = arith.subi %arg0, %sub3A : i32
      %get3A = arith.constant 0 : index
      %get3A_7 = arith.constant 0 : index
      %get3A_8 = vector.load %arg5[%get3A, %get3A_7] : memref<1280x1024xf32, #tpu.memory_space<vmem>>, vector<1280x1024xf32>
      %broadcast_in_dim3A = arith.constant 1.000000e+00 : f32
      %broadcast_in_dim3A_9 = vector.broadcast %broadcast_in_dim3A : f32 to vector<1x1024xf32>
      %mul3A = arith.mulf %get3A_8, %get3A_8 : vector<1280x1024xf32>
      %dot_general3A = arith.constant dense<0.000000e+00> : vector<1x1280xf32>
      %dot_general3A_10 = tpu.matmul %broadcast_in_dim3A_9, %mul3A, %dot_general3A {dimension_numbers = #tpu.dot_dimension_numbers<[1], [1], [0], [0], [0, 0, 1, 0], [], []>, transpose_lhs_hint = false} : vector<1x1024xf32>, vector<1280x1024xf32>, vector<1x1280xf32> -> vector<1x1280xf32>
      %mul3A_11 = arith.constant 256 : i32
      %mul3A_12 = arith.muli %sub3A_6, %mul3A_11 : i32
      %multiple_of3A = tpu.assume_multiple %mul3A_12, 256 : i32
      %get3A_13 = arith.index_cast %multiple_of3A : i32 to index
      %get3A_14 = arith.constant 0 : index
      %get3A_15 = vector.load %arg5[%get3A_13, %get3A_14] : memref<1280x1024xf32, #tpu.memory_space<vmem>>, vector<256x1024xf32>
      %mul3A_16 = arith.mulf %get3A_15, %get3A_15 : vector<256x1024xf32>
      %reduce_sum3A = arith.constant dense<0.000000e+00> : vector<256xf32>
      %reduce_sum3A_17 = vector.multi_reduction <add>, %mul3A_16, %reduce_sum3A [1] : vector<256x1024xf32> to vector<256xf32>
      %broadcast_in_dim3A_18 = vector.shape_cast %reduce_sum3A_17 : vector<256xf32> to vector<256x1xf32>
      %dot_general3A_19 = arith.constant dense<0.000000e+00> : vector<256x1280xf32>
      %dot_general3A_20 = tpu.matmul %get3A_15, %get3A_8, %dot_general3A_19 {dimension_numbers = #tpu.dot_dimension_numbers<[1], [1], [0], [0], [0, 0, 1, 0], [], []>, transpose_lhs_hint = false} : vector<256x1024xf32>, vector<1280x1024xf32>, vector<256x1280xf32> -> vector<256x1280xf32>
      %mul3A_21 = arith.constant 2.000000e+00 : f32
      %mul3A_22 = vector.broadcast %mul3A_21 : f32 to vector<256x1280xf32>
      %mul3A_23 = arith.mulf %mul3A_22, %dot_general3A_20 : vector<256x1280xf32>
      %sub3A_24 = vector.broadcast %broadcast_in_dim3A_18 : vector<256x1xf32> to vector<256x1280xf32>
      %sub3A_25 = arith.subf %mul3A_23, %sub3A_24 : vector<256x1280xf32>
      %sub3A_26 = vector.broadcast %dot_general3A_10 : vector<1x1280xf32> to vector<256x1280xf32>
      %sub3A_27 = arith.subf %sub3A_25, %sub3A_26 : vector<256x1280xf32>
      %swap3A = arith.constant 0 : index
      %swap3A_28 = arith.constant 0 : index
      %swap3A_29 = vector.load %arg4[%swap3A, %swap3A_28] : memref<256x1280xf32, #tpu.memory_space<vmem>>, vector<256x1280xf32>
      tpu.vector_store %arg4[%swap3A, %swap3A_28], %sub3A_27 {strides = array<i32>} : memref<256x1280xf32, #tpu.memory_space<vmem>>, vector<256x1280xf32>,
      %eq3A = arith.constant 0 : i32
      %eq3A_30 = arith.cmpi eq, %sub3A_6, %eq3A : i32
      %convert_element_type3A_31 = arith.extui %eq3A_30 : i1 to i32
      %cond3A_32 = arith.constant 0 : i32
      %cond3A_33 = arith.cmpi ne, %convert_element_type3A_31, %cond3A_32 : i32
      scf.if %cond3A_33 {
        %get3A_34 = arith.constant 0 : index
        %get3A_35 = arith.constant 0 : index
        %get3A_36 = vector.load %arg7[%get3A_34, %get3A_35] : memref<64x5120xf32, #tpu.memory_space<vmem>>, vector<64x1024xf32>
        %get3A_37 = arith.constant 0 : index
        %get3A_38 = arith.constant 1024 : index
        %get3A_39 = vector.load %arg7[%get3A_37, %get3A_38] : memref<64x5120xf32, #tpu.memory_space<vmem>>, vector<64x1024xf32>
        %add3A = arith.addf %get3A_36, %get3A_39 : vector<64x1024xf32>
        %get3A_40 = arith.constant 0 : index
        %get3A_41 = arith.constant 2048 : index
        %get3A_42 = vector.load %arg7[%get3A_40, %get3A_41] : memref<64x5120xf32, #tpu.memory_space<vmem>>, vector<64x1024xf32>
        %add3A_43 = arith.addf %add3A, %get3A_42 : vector<64x1024xf32>
        %get3A_44 = arith.constant 0 : index
        %get3A_45 = arith.constant 3072 : index
        %get3A_46 = vector.load %arg7[%get3A_44, %get3A_45] : memref<64x5120xf32, #tpu.memory_space<vmem>>, vector<64x1024xf32>
        %add3A_47 = arith.addf %add3A_43, %get3A_46 : vector<64x1024xf32>
        %get3A_48 = arith.constant 0 : index
        %get3A_49 = arith.constant 4096 : index
        %get3A_50 = vector.load %arg7[%get3A_48, %get3A_49] : memref<64x5120xf32, #tpu.memory_space<vmem>>, vector<64x1024xf32>
        %add3A_51 = arith.addf %add3A_47, %get3A_50 : vector<64x1024xf32>
        %mul3A_52 = arith.constant 2.000000e-01 : f32
        %mul3A_53 = vector.broadcast %mul3A_52 : f32 to vector<64x1024xf32>
        %mul3A_54 = arith.mulf %add3A_51, %mul3A_53 : vector<64x1024xf32>
        %mul3A_55 = arith.mulf %mul3A_54, %mul3A_54 : vector<64x1024xf32>
        %reduce_sum3A_56 = arith.constant dense<0.000000e+00> : vector<64xf32>
        %reduce_sum3A_57 = vector.multi_reduction <add>, %mul3A_55, %reduce_sum3A_56 [1] : vector<64x1024xf32> to vector<64xf32>
        %dot_general3A_58 = arith.constant dense<0.000000e+00> : vector<64x1280xf32>
        %dot_general3A_59 = tpu.matmul %mul3A_54, %get3A_8, %dot_general3A_58 {dimension_numbers = #tpu.dot_dimension_numbers<[1], [1], [0], [0], [0, 0, 1, 0], [], []>, transpose_lhs_hint = false} : vector<64x1024xf32>, vector<1280x1024xf32>, vector<64x1280xf32> -> vector<64x1280xf32>
        %mul3A_60 = arith.constant 2.000000e+00 : f32
        %mul3A_61 = vector.broadcast %mul3A_60 : f32 to vector<64x1280xf32>
        %mul3A_62 = arith.mulf %mul3A_61, %dot_general3A_59 : vector<64x1280xf32>
        %broadcast_in_dim3A_63 = vector.shape_cast %reduce_sum3A_57 : vector<64xf32> to vector<64x1xf32>
        %sub3A_64 = vector.broadcast %broadcast_in_dim3A_63 : vector<64x1xf32> to vector<64x1280xf32>
        %sub3A_65 = arith.subf %mul3A_62, %sub3A_64 : vector<64x1280xf32>
        %sub3A_66 = vector.broadcast %dot_general3A_10 : vector<1x1280xf32> to vector<64x1280xf32>
        %sub3A_67 = arith.subf %sub3A_65, %sub3A_66 : vector<64x1280xf32>
        %iota3A = tpu.iota {dimensions = array<i32: 0>} : vector<64x1280xi32>
        %convert_element_type3A_68 = arith.sitofp %iota3A : vector<64x1280xi32> to vector<64x1280xf32>
        %reduce_max3A = arith.constant dense<0xFF800000> : vector<1280xf32>
        %reduce_max3A_69 = vector.multi_reduction <maximumf>, %sub3A_67, %reduce_max3A [0] : vector<64x1280xf32> to vector<1280xf32>
        %broadcast_in_dim3A_70 = vector.shape_cast %reduce_max3A_69 : vector<1280xf32> to vector<1x1280xf32>
        %eq3A_71 = vector.broadcast %broadcast_in_dim3A_70 : vector<1x1280xf32> to vector<64x1280xf32>
        %eq3A_72 = arith.cmpf oeq, %sub3A_67, %eq3A_71 : vector<64x1280xf32>
        %jit3A = arith.constant 6.400000e+01 : f32
        %broadcast_in_dim3A_73 = vector.broadcast %jit3A : f32 to vector<64x1280xf32>
        %select_n3A = arith.select %eq3A_72, %convert_element_type3A_68, %broadcast_in_dim3A_73 : vector<64x1280xi1>, vector<64x1280xf32>
        %reduce_min3A = arith.constant dense<0x7F800000> : vector<1280xf32>
        %reduce_min3A_74 = vector.multi_reduction <minimumf>, %select_n3A, %reduce_min3A [0] : vector<64x1280xf32> to vector<1280xf32>
        %broadcast_in_dim3A_75 = vector.shape_cast %reduce_min3A_74 : vector<1280xf32> to vector<1x1280xf32>
        %eq3A_76 = vector.broadcast %broadcast_in_dim3A_75 : vector<1x1280xf32> to vector<64x1280xf32>
        %eq3A_77 = arith.cmpf oeq, %convert_element_type3A_68, %eq3A_76 : vector<64x1280xf32>
        %jit3A_78 = arith.constant -1.000000e+30 : f32
        %broadcast_in_dim3A_79 = vector.broadcast %jit3A_78 : f32 to vector<64x1280xf32>
        %select_n3A_80 = arith.select %eq3A_77, %sub3A_67, %broadcast_in_dim3A_79 : vector<64x1280xi1>, vector<64x1280xf32>
        %reduce_max3A_81 = arith.constant dense<0xFF800000> : vector<64xf32>
        %reduce_max3A_82 = vector.multi_reduction <maximumf>, %select_n3A_80, %reduce_max3A_81 [1] : vector<64x1280xf32> to vector<64xf32>
        %broadcast_in_dim3A_83 = vector.shape_cast %reduce_max3A_82 : vector<64xf32> to vector<64x1xf32>
        %max3A = arith.constant 0.000000e+00 : f32
        %max3A_84 = vector.broadcast %max3A : f32 to vector<64x1xf32>
        %max3A_85 = arith.maximumf %broadcast_in_dim3A_83, %max3A_84 : vector<64x1xf32>
        %sub3A_86 = vector.broadcast %max3A_85 : vector<64x1xf32> to vector<64x1280xf32>
        %sub3A_87 = arith.subf %select_n3A_80, %sub3A_86 : vector<64x1280xf32>
        %exp3A = math.exp %sub3A_87 : vector<64x1280xf32>
        %neg3A = arith.constant 0.000000e+00 : f32
        %neg3A_88 = vector.broadcast %neg3A : f32 to vector<64x1xf32>
        %neg3A_89 = arith.subf %neg3A_88, %max3A_85 : vector<64x1xf32>
        %exp3A_90 = math.exp %neg3A_89 : vector<64x1xf32>
        %reduce_sum3A_91 = arith.constant dense<0.000000e+00> : vector<64xf32>
        %reduce_sum3A_92 = vector.multi_reduction <add>, %exp3A, %reduce_sum3A_91 [1] : vector<64x1280xf32> to vector<64xf32>
        %broadcast_in_dim3A_93 = vector.shape_cast %reduce_sum3A_92 : vector<64xf32> to vector<64x1xf32>
        %add3A_94 = arith.addf %broadcast_in_dim3A_93, %exp3A_90 : vector<64x1xf32>
        %div3A = vector.broadcast %add3A_94 : vector<64x1xf32> to vector<64x1280xf32>
        %div3A_95 = arith.divf %exp3A, %div3A : vector<64x1280xf32>
        %dot_general3A_96 = arith.constant dense<0.000000e+00> : vector<64x1024xf32>
        %dot_general3A_97 = tpu.matmul %div3A_95, %get3A_8, %dot_general3A_96 {dimension_numbers = #tpu.dot_dimension_numbers<[1], [0], [0], [1], [0, 0, 1, 1], [], []>, transpose_lhs_hint = false} : vector<64x1280xf32>, vector<1280x1024xf32>, vector<64x1024xf32> -> vector<64x1024xf32>
        %div3A_98 = arith.divf %exp3A_90, %add3A_94 : vector<64x1xf32>
        %mul3A_99 = vector.broadcast %div3A_98 : vector<64x1xf32> to vector<64x1024xf32>
        %mul3A_100 = arith.mulf %mul3A_99, %mul3A_54 : vector<64x1024xf32>
        %add3A_101 = arith.addf %dot_general3A_97, %mul3A_100 : vector<64x1024xf32>
        %swap3A_102 = arith.constant 0 : index
        %swap3A_103 = arith.constant 0 : index
        %swap3A_104 = vector.load %arg6[%swap3A_102, %swap3A_103] : memref<64x1024xf32, #tpu.memory_space<vmem>>, vector<64x1024xf32>
        tpu.vector_store %arg6[%swap3A_102, %swap3A_103], %add3A_101 {strides = array<i32>} : memref<64x1024xf32, #tpu.memory_space<vmem>>, vector<64x1024xf32>,
      } else {
      }
    } else {
    }
    return
  }
  func.func @transform_0(%arg0: i32) -> (i32, i32) {
    %min3A = arith.constant 7 : i32
    %min3A_0 = arith.minsi %arg0, %min3A : i32
    %c0_i32 = arith.constant 0 : i32
    %c0_i32_1 = arith.constant 0 : i32
    return %min3A_0, %c0_i32 : i32, i32
  }
  func.func @transform_1(%arg0: i32) -> (i32, i32) {
    %c0_i32 = arith.constant 0 : i32
    %c0_i32_0 = arith.constant 0 : i32
    %c0_i32_1 = arith.constant 0 : i32
    return %c0_i32, %c0_i32_0 : i32, i32
  }
  func.func @transform_2(%arg0: i32) -> (i32, i32) {
    %c0_i32 = arith.constant 0 : i32
    %c0_i32_0 = arith.constant 0 : i32
    %c0_i32_1 = arith.constant 0 : i32
    return %c0_i32, %c0_i32_0 : i32, i32
  }
  func.func @transform_3(%arg0: i32) -> (i32, i32) {
    %sub3A = arith.constant 8 : i32
    %sub3A_0 = arith.subi %arg0, %sub3A : i32
    %max3A = arith.constant 0 : i32
    %max3A_1 = arith.maxsi %sub3A_0, %max3A : i32
    %c0_i32 = arith.constant 0 : i32
    %c0_i32_2 = arith.constant 0 : i32
    return %max3A_1, %c0_i32 : i32, i32
  }
  func.func @transform_4(%arg0: i32) -> (i32, i32) {
    %c0_i32 = arith.constant 0 : i32
    %c0_i32_0 = arith.constant 0 : i32
    %c0_i32_1 = arith.constant 0 : i32
    return %c0_i32, %c0_i32_0 : i32, i32
  }
  func.func @transform_5(%arg0: i32) -> (i32, i32) {
    %c0_i32 = arith.constant 0 : i32
    %c0_i32_0 = arith.constant 0 : i32
    %c0_i32_1 = arith.constant 0 : i32
    return %c0_i32, %c0_i32_0 : i32, i32
  }
}

</mosaic_0001>

<sc_bundles>
// kernel: kernel.6.cloned.1.call-start
scs
__scs_entry_jumppad:
0x0: {  	(pc) =	sbr.rel $0x88, $3  }
0x1: {  	(tag) =	ssettag $0x0;
	lr =	simm.s32 $0x1  }
0x2: {  	[smem:$0x3F9A] =	sst lr;
	_ =	strace $0xD0000000  }
0x3: {  	_ = 	snop  }
0x4: {  	_ = 	snop  }
0x5: {  	_ = 	snop  }
0x6: {  	_ = 	snop  }
0x7: {  	_ = 	snop  }
__scs_overlays_trampoline_lowered:
0x8: {  	[smem:$0x3FA9] =	sst s0  }
0x9: {  	[smem:$0x3FAA] =	sst s1  }
0xa: {  	[smem:$0x3FAB] =	sst s2  }
0xb: {  	[smem:$0x3FAC] =	sst s3  }
0xc: {  	[smem:$0x3FAD] =	sst s4  }
0xd: {  	[smem:$0x3FAE] =	sst s5  }
0xe: {  	[smem:$0x3FAF] =	sst s6  }
0xf: {  	[smem:$0x3FB0] =	sst s7  }
0x10: {  	[smem:$0x3FB1] =	sst s8  }
0x11: {  	[smem:$0x3FB2] =	sst s9;
	s0 =	simm.s32 @!p0 $0x0  }
0x12: {  	s1 =	sld [smem:$0x3F98];
	s0 =	simm.s32 @p0 $0x1  }
0x13: {  	[smem:$0x3FB3] =	sst s0;
	s0 =	simm.s32 @!p1 $0x0  }
0x14: {  	s2 =	sld [smem:$0x3F97];
	s0 =	simm.s32 @p1 $0x1  }
0x15: {  	[smem:$0x3FB4] =	sst s0;
	s0 =	simm.s32 @!p2 $0x0  }
0x16: {  	s3 =	sld [smem:$0x3FDB];
	s0 =	simm.s32 @p2 $0x1  }
0x17: {  	s4 =	simm.s32 $0x1BF5;
	[smem:$0x3FB6] =	sst s0  }
0x18: {  	s0 =	sld [smem:$0x3F99];
	_ =	swait.ge [sflag:s4], $0x0  }
0x19: {  	s7 =	sld [smem:$0x3F9A]  }
0x1a: {  	s8 =	sadd.s32 $0xFFFFE003, lr  }
0x1b: {  	s9 =	sadd.s32 $0xFFFFFEF7, lr;
	s5 =	simm.s32 $0xFFFFFFFF;
	p2 =	slt.u32 s8, $0xFFFFF086  }
0x1c: {  	p1 =	slt.u32 s9, $0xF7A;
	s5 =	simm.s32 @!p2 $0x0  }
0x1d: {  	s5 =	simm.s32 @p1 $0x1;
	p0 =	seq.s32 s7, s2  }
0x1e: {  	s7 =	smul.u32 @!p0 $0xF7A, s2;
	p2 =	seq.s32 @!p0 s5, $0x0  }
0x1f: {  	s9 =	smul.u32 $0xF7A, s1;
	s8 =	simm.s32 @!p0 $0x1BF5;
	p2 =	por !p2, p0  }
0x20: {  	[sflag:s8] =	ssyncset.s32 @!p0 $0xFFFFF086;
	s6 =	sadd.s32 @!p0 s3, s7;
	s7 =	simm.s32 @!p0 $0x108  }
0x21: {  	s3 =	sadd.s32 s3, s9;
	s6 =	sadd.s32 @!p0 $0x88, s6;
	s7 =	simm.s32 @p2 $0x1082  }
0x22: {  	[simem:s7], [sflag:s8] =	dma.local @!p0 [hbm:s6], $0xF7A  }
0x23: {  	s9 =	sor.u32 $0xD0000000, s2;
	s6 =	simm.s32 $0x108;
	_ =	swait.ge @!p0 [sflag:s8], $0x0  }
0x24: {  	s3 =	sadd.s32 $0x88, s3;
	s6 =	simm.s32 @!p1 $0x1082;
	[sflag:s4] =	ssyncset.s32 $0xFFFFF086  }
0x25: {  	[simem:s6], [sflag:s4] =	dma.local [hbm:s3], $0xF7A  }
0x26: {  	[smem:$0x3F9A] =	sst s1;
	(tag) =	ssettag s2;
	_ =	strace s9  }
0x27: {  	s1 =	sld [smem:$0x3FAA]  }
0x28: {  	s2 =	sld [smem:$0x3FAB]  }
0x29: {  	s4 =	sld [smem:$0x3FAD]  }
0x2a: {  	p0 =	seq.s32 s5, $0x0;
	s5 =	sld [smem:$0x3FAE]  }
0x2b: {  	s6 =	sld [smem:$0x3FAF]  }
0x2c: {  	s7 =	sld [smem:$0x3FB0]  }
0x2d: {  	s3 =	simm.s32 $0x108;
	s8 =	sld [smem:$0x3FB1]  }
0x2e: {  	s3 =	simm.s32 @!p0 $0x1082;
	s9 =	sld [smem:$0x3FB2]  }
0x2f: {  	lr =	sadd.s32 s0, s3;
	s0 =	sld [smem:$0x3FA9]  }
0x30: {  	s3 =	sld [smem:$0x3FAC]  }
0x31: {  	[smem:$0x3FB5] =	sst s10  }
0x32: {  	s10 =	sld [smem:$0x3FB3];
	_ =	sdelay $0x3  }
0x33: {  	p0 =	seq.s32 s10, $0x1;
	s10 =	sld [smem:$0x3FB5];
	_ =	sdelay $0x3  }
0x34: {  	[smem:$0x3FB5] =	sst s10  }
0x35: {  	s10 =	sld [smem:$0x3FB4];
	_ =	sdelay $0x3  }
0x36: {  	p1 =	seq.s32 s10, $0x1;
	s10 =	sld [smem:$0x3FB5];
	_ =	sdelay $0x3  }
0x37: {  	[smem:$0x3FB5] =	sst s10  }
0x38: {  	s10 =	sld [smem:$0x3FB6]  }
0x39: {  	_ = 	snop;
	(pc) =	sbr.ind lr, $3  }
0x3a: {  	_ = 	snop  }
0x3b: {  	_ = 	snop  }
0x3c: {  	p2 =	seq.s32 s10, $0x1;
	s10 =	sld [smem:$0x3FB5]  }
0x3d: {  	_ =	shalt  }
0x3e: {  	_ =	shalt  }
0x3f: {  	_ =	shalt  }
0x40: {  	_ =	shalt  }
0x41: {  	_ =	shalt  }
0x42: {  	_ =	shalt  }
0x43: {  	_ =	shalt  }
0x44: {  	_ =	shalt  }
0x45: {  	_ =	shalt  }
0x46: {  	_ =	shalt  }
0x47: {  	_ =	shalt  }
0x48: {  	_ =	shalt  }
0x49: {  	_ =	shalt  }
0x4a: {  	_ =	shalt  }
0x4b: {  	_ =	shalt  }
0x4c: {  	_ =	shalt  }
0x4d: {  	_ =	shalt  }
0x4e: {  	_ =	shalt  }
0x4f: {  	_ =	shalt  }
0x50: {  	_ =	shalt  }
0x51: {  	_ =	shalt  }
0x52: {  	_ =	shalt  }
0x53: {  	_ =	shalt  }
0x54: {  	_ =	shalt  }
0x55: {  	_ =	shalt  }
0x56: {  	_ =	shalt  }
0x57: {  	_ =	shalt  }
0x58: {  	_ =	shalt  }
0x59: {  	_ =	shalt  }
0x5a: {  	_ =	shalt  }
0x5b: {  	_ =	shalt  }
0x5c: {  	_ =	shalt  }
0x5d: {  	_ =	shalt  }
0x5e: {  	_ =	shalt  }
0x5f: {  	_ =	shalt  }
0x60: {  	_ =	shalt  }
0x61: {  	_ =	shalt  }
0x62: {  	_ =	shalt  }
0x63: {  	_ =	shalt  }
0x64: {  	_ =	shalt  }
0x65: {  	_ =	shalt  }
0x66: {  	_ =	shalt  }
0x67: {  	_ =	shalt  }
0x68: {  	_ =	shalt  }
0x69: {  	_ =	shalt  }
0x6a: {  	_ =	shalt  }
0x6b: {  	_ =	shalt  }
0x6c: {  	_ =	shalt  }
0x6d: {  	_ =	shalt  }
0x6e: {  	_ =	shalt  }
0x6f: {  	_ =	shalt  }
0x70: {  	_ =	shalt  }
0x71: {  	_ =	shalt  }
0x72: {  	_ =	shalt  }
0x73: {  	_ =	shalt  }
0x74: {  	_ =	shalt  }
0x75: {  	_ =	shalt  }
0x76: {  	_ =	shalt  }
0x77: {  	_ =	shalt  }
0x78: {  	_ =	shalt  }
0x79: {  	_ =	shalt  }
0x7a: {  	_ =	shalt  }
0x7b: {  	_ =	shalt  }
0x7c: {  	_ =	shalt  }
0x7d: {  	_ =	shalt  }
0x7e: {  	_ =	shalt  }
0x7f: {  	_ =	shalt  }
0x80: {  	_ =	shalt  }
0x81: {  	_ =	shalt  }
0x82: {  	_ =	shalt  }
0x83: {  	_ =	shalt  }
0x84: {  	_ =	shalt  }
0x85: {  	_ =	shalt  }
0x86: {  	_ =	shalt  }
0x87: {  	_ =	shalt  }
.Lfunc_end0:
.L_simem_size_0:
called_computation_lowered:
.L_overlay_start_0:
0x88: {  	s2 =	sld [smem:$0x3FD9]  }
0x89: {  	s3 =	sld [smem:$0x3FFE];
	_ =	sdelay $0x1  }
0x8a: {  	s1 =	srdreg.scid  }
0x8b: {  	s0 =	sand.u32 $0x1, s1  }
0x8c: {  	s16 =	sshll.u32 s0, $0xA;
	s2 =	sadd.s32 s3, s2  }
0x8d: {  	s2 =	sadd.s32 s2, s16  }
0x8e: {  	[smem:$0x3FC1] =	sst s2  }
0x8f: {  	_ = 	snop  }
0x90: {  	(tm) =	ssettm $0x1  }
0x91: {  	s17 =	sld [smem:$0x3FFB];
	_ =	sdelay $0x3  }
0x92: {  	_ =	strace s17  }
0x93: {  	s2 =	sld [smem:$0x3FFC];
	_ =	sdelay $0x3  }
0x94: {  	_ =	strace s2  }
0x95: {  	s2 =	sld [smem:$0x3FFD];
	_ =	sdelay $0x3  }
0x96: {  	_ =	strace s2  }
0x97: {  	_ =	strace $0x8FFFFFFF  }
0x98: {  	s18 =	sld [smem:$0x3FDB];
	_ =	sdelay $0x1  }
0x99: {  	s19 =	simm.s32 $_scs_section_size  }
0x9a: {  	s4 =	simm.s32 $_size__tile_overlayer_lowered;
	s5 =	simm.s32 $_tile_overlayer_lowered  }
0x9b: {  	s22 =	simm.s32 $0x1BFF;
	s21 =	sshll.u32 s5, $0x1;
	s2 =	sadd.s32 s19, s18  }
0x9c: {  	s6 =	simm.s32 $0x0;
	s20 =	sshll.u32 s4, $0x1;
	s4 =	sadd.s32 s21, s2  }
0x9d: {  	[timem:s6], [sflag:s22] =	dma.local [hbm:s4], s20  }
0x9e: {  	_ =	swait.ge [sflag:s22], s20  }
0x9f: {  	s3 =	ssub.s32 $0x0, s20;
	[sflag:s22] =	ssyncset.done $0x0  }
0xa0: {  	[sflag:s22] =	ssyncadd.s32 s3;
	_ =	sdelay $0x1  }
0xa1: {  	s23 =	simm.s32 $0x1B8B  }
0xa2: {  	_ =	swait.ge [sflag:s23], $0x1  }
0xa3: {  	[sflag:s23] =	ssyncset.done $0x0  }
0xa4: {  	s25 =	simm.s32 $0x1B8E;
	s24 =	sld [smem:$0x3FFE];
	[sflag:s23] =	ssyncadd.s32 $0xFFFFFFFF  }
0xa5: {  	s26 =	simm.s32 $execute0_lowered;
	[smem:$0x3FD2] =	sst s25  }
0xa6: {  	s4 =	sshll.u32 s26, $0x1;
	_ =	strace $0x80000046;
	[dreg:$0x1] =	wrdreg $0xFFFFFFFF  }
0xa7: {  	s28 =	simm.s32 $_size_execute0_lowered;
	s2 =	sadd.s32 s2, s4;
	[dreg:$0x0] =	wrdreg $0x0  }
0xa8: {  	s4 =	sshll.u32 s28, $0x1;
	[dreg:$0x2] =	wrdreg s2  }
0xa9: {  	[dreg:$0x3] =	wrdreg s4  }
0xaa: {  	[dreg:$0x4] =	wrdreg $0xC0  }
0xab: {  	_ =	task [dreg:s6], $0x5FFFF  }
0xac: {  	[dreg:$0x1] =	wrdreg $0xFFFFFFFF  }
0xad: {  	[dreg:$0x0] =	wrdreg $0x60  }
0xae: {  	[dreg:$0x2] =	wrdreg s24  }
0xaf: {  	[dreg:$0x3] =	wrdreg $0x9  }
0xb0: {  	_ =	task.clear_ibuf [dreg:s6], $0x4FFFF;
	_ =	strace $0x90000046  }
0xb1: {  	s29 =	simm.s32 $0x9;
	_ =	strace $0x80000048  }
0xb2: {  	_ =	swait.ge [sflag:s29], $0x1  }
0xb3: {  	[sflag:s29] =	ssyncadd.s32 $0xFFFFFFFF  }
0xb4: {  	_ =	strace $0x90000048  }
0xb5: {  	_ =	sfence  }
0xb6: {  	s30 =	sld [smem:$0x0];
	_ =	sdelay $0x2  }
0xb7: {  	s31 =	sshll.u32 s1, $0xD;
	s1 =	sshrl.u32 s1, $0x2  }
0xb8: {  	s3 =	sand.u32 $0x4000, s31;
	s1 =	sadd.s32 s1, s30  }
0xb9: {  	s0 =	sor.u32 s3, s0;
	s1 =	sshll.u32 s1, $0x11  }
0xba: {  	s0 =	sor.u32 s1, s0  }
0xbb: {  	s0 =	sadd.s32 $0x8F2B, s0  }
0xbc: {  	[sflag:s0] =	ssyncadd.remote.s32 $0x1  }
0xbd: {  	_ =	sfence.sel $0xFFFF  }
0xbe: {  	[dreg:$0x0] =	wrdreg $0xFFFFFFFF;
	(pc) =	sbr.abs _section_cstart, $3  }
0xbf: {  	[dreg:$0x1] =	wrdreg $0xFFFFFFFF  }
0xc0: {  	_ =	task.clear_ibuf [dreg:s6], $0x2FFFF;
	_ =	strace $0x9FFFFFFF  }
0xc1: {  	(tm) =	ssettm $0x7FFFFFFF  }
tec
execute0_lowered:
.L_overlay_start_1:
0x0: {  	(tag) =	ssettag $0x1  }
0x1: {  	v0 =	vimm.f32 $1.500000000e+01;
	vm0 =	vcmask $0x300  }
0x2: {  	vm14 =	vcmask $0x704;
	v0 =	vsel vm0, $0x0, v0  }
0x3: {  	vm15 =	vcmask $0xB08;
	v0 =	vsel vm14, $0x3F800000, v0  }
0x4: {  	vm4 =	vcmask $0xF0C;
	v0 =	vsel vm15, $0x40000000, v0  }
0x5: {  	vm5 =	vcmask $0x1310;
	v0 =	vsel vm4, $0x40400000, v0  }
0x6: {  	vm6 =	vcmask $0x1714;
	v0 =	vsel vm5, $0x40800000, v0  }
0x7: {  	vm7 =	vcmask $0x1B18;
	v0 =	vsel vm6, $0x40A00000, v0  }
0x8: {  	s1 =	srdreg.scid;
	s0 =	stileid.u32;
	vm8 =	vcmask $0x1F1C;
	v0 =	vsel vm7, $0x40C00000, v0  }
0x9: {  	vm9 =	vcmask $0x2320;
	s3 =	sand.u32 $0x1, s1;
	s30 =	sshll.u32 s0, $0x1;
	v0 =	vsel vm8, $0x40E00000, v0  }
0xa: {  	s4 =	rddreg [dreg:$0x0];
	s2 =	simm.s32 $0x0;
	vm10 =	vcmask $0x2724;
	s5 =	sor.u32 s3, s30;
	v0 =	vsel vm9, $0x41000000, v0  }
0xb: {  	vm11 =	vcmask $0x2B28;
	s8 =	simm.s32 $0xC800;
	s9 =	simm.s32 $0xDC00;
	s6 =	smul.u32 $0x1900, s5;
	v0 =	vsel vm10, $0x41100000, v0  }
0xc: {  	vm12 =	vcmask $0x2F2C;
	s10 =	simm.s32 $0x0;
	[smem:$0x7FF] =	sst s2;
	s5 =	smul.u32 $0x280, s5;
	v0 =	vsel vm11, $0x41200000, v0  }
0xd: {  	vm13 =	vcmask $0x3330;
	v1 =	vlaneseq.u32;
	s1 =	rddreg [dreg:$0x1];
	_ =	strace $0x80000047;
	s3 =	ssub.s32 $0x2, s3;
	v0 =	vsel vm12, $0x41300000, v0  }
0xe: {  	v1 =	vmul.u32 $0xFFFFFFFF, v1;
	vm14 =	vcmask $0x3734;
	s31 =	sshrl.u32 s3, $0x1;
	s6 =	sadd.s32 s6, s4;
	s5 =	sadd.s32 s5, s4;
	v0 =	vsel vm13, $0x41400000, v0  }
0xf: {  	vm15 =	vcmask $0x3B38;
	s7 =	ssub.s32 s3, s31;
	s3 =	sadd.s32 $0x1800, s6;
	s4 =	sadd.s32 $0x33800, s5;
	v0 =	vsel vm14, $0x41500000, v0  }
0x10: {  	v1 =	vadd.s32 $0xF, v1;
	s5 =	sadd.s32 $0x38800, s5;
	s6 =	smax.u32 s7, $0x1;
	s7 =	simm.s32 $0x1;
	v0 =	vsel vm15, $0x41600000, v0  }
.LBB2_1:
0x11: {  	[tilespmem:s2], [sflag:$0x1] =	stream.linear.gather [hbm4b:s3+s2], $0xC800, $0x38;
	[tilespmem:$0xF000] =	vst v63  }
0x12: {  	_ =	swait.ge [sflag:s7], $0xC800  }
0x13: {  	[sflag:s7] =	ssyncset.done $0x0  }
0x14: {  	s11 =	simm.s32 $0x0;
	[sflag:s7] =	ssyncadd.s32 $0xFFFF3800  }
.LBB2_2:
0x15: {  	s12 =	sshrl.u32 s11, $0x3  }
0x16: {  	s13 =	smul.u32 $0xA000, s12  }
0x17: {  	s12 =	sshll.u32 s11, $0x7  }
0x18: {  	s14 =	sand.u32 $0x380, s12;
	s13 =	sshra.s32 s13, $0x2  }
0x19: {  	s15 =	sor.u32 s14, s13  }
0x1a: {  	v2 =	vld [tilespmem:s15+$0x0];
	_ =	sdelay $0x4  }
0x1b: {  	(xrf1) =	vsort.dscd.msk.f32 $0xffff, v2, v0;
	_ =	sdelay $0x3  }
0x1c: {  	v2 =	vmov s14  }
0x1d: {  	s29 =	simm.s32 $0x80  }
0x1e: {  	s30 =	simm.s32 $0x10;
	s14 =	sand.u32 $0x3C00, s29  }
0x1f: {  	s16 =	sand.u32 $0x70, s30;
	s14 =	sadd.s32 s14, s13  }
0x20: {  	s14 =	sadd.s32 s16, s14  }
0x21: {  	v5 =	vld.idx.msk [tilespmem:v2+s14+$0x0 ss:$0x1], $0xffff  }
0x22: {  	s31 =	scvt.s32.f32 s30;
	_ =	sdelay $0x1  }
0x23: {  	v6 =	vadd.f32 s31, v0;
	_ =	sdelay $0x1  }
0x24: {  	v4, v3, _ =	vpop (xrf1);
	(xrf1) =	vsort.dscd.msk.f32 $0xffff, v5, v6;
	_ =	sdelay $0xa  }
0x25: {  	s15 =	simm.s32 $0x100  }
0x26: {  	s17 =	sand.u32 $0x3C00, s15;
	s16 =	simm.s32 $0x30;
	s14 =	simm.s32 $0x20  }
.LBB2_3:
0x27: {  	p0 =	sne.s32 s16, $0x4F0;
	s18 =	sand.u32 $0x70, s14;
	s17 =	sadd.s32 s17, s13;
	v4 =	vperm.xlane v4, v1;
	v3 =	vperm.xlane v3, v1  }
0x28: {  	s17 =	sadd.s32 s18, s17;
	v5, v6, _ =	vpop (xrf1)  }
0x29: {  	v7 =	vld.idx.msk [tilespmem:v2+s17+$0x0 ss:$0x1], $0xffff;
	vm0 =	veq.f32 v5, v4;
	vm1 =	vlt.f32 v6, v3  }
0x2a: {  	vm2 =	vgt.f32 v5, v4;
	vm0 =	vmand vm0, vm1  }
0x2b: {  	s17 =	scvt.s32.f32 s14;
	s14 =	smov.u32 s16;
	vm0 =	vmor vm2, vm0  }
0x2c: {  	v4 =	vsel vm0, v5, v4;
	v3 =	vsel vm0, v6, v3  }
0x2d: {  	v5 =	vadd.f32 s17, v0;
	(xrf1) =	vsort.dscd.msk.f32 $0xffff, v4, v3;
	_ =	sdelay $0x1  }
0x2e: {  	(xrf1) =	vsort.dscd.msk.f32 $0xffff, v7, v5;
	_ =	sdelay $0x7  }
.Ltmp0:
0x2f: {  	(pc) =	sbr.rel @p0 .LBB2_3-.Ltmp0, $3  }
0x30: {  	_ =	sdelay $0x1  }
0x31: {  	s15 =	sadd.s32 $0x80, s15  }
0x32: {  	s16 =	sadd.s32 $0x10, s16;
	s17 =	sand.u32 $0x3C00, s15;
	v4, v3, _ =	vpop (xrf1)  }
0x33: {  	_ = 	snop  }
0x34: {  	v4 =	vperm.xlane v4, v1;
	v3 =	vperm.xlane v3, v1  }
0x35: {  	s15 =	sand.u32 $0x70, s14;
	s13 =	sadd.s32 s17, s13;
	v5, v6, _ =	vpop (xrf1)  }
0x36: {  	s13 =	sadd.s32 s15, s13;
	vm0 =	veq.f32 v5, v4;
	vm1 =	vlt.f32 v6, v3  }
0x37: {  	v2 =	vld.idx.msk [tilespmem:v2+s13+$0x0 ss:$0x1], $0xffff;
	vm2 =	vgt.f32 v5, v4;
	vm0 =	vmand vm0, vm1  }
0x38: {  	s31 =	scvt.s32.f32 s14;
	vm0 =	vmor vm2, vm0  }
0x39: {  	v4 =	vsel vm0, v5, v4;
	v3 =	vsel vm0, v6, v3  }
0x3a: {  	v62 =	vadd.f32 s31, v0;
	(xrf1) =	vsort.dscd.msk.f32 $0xffff, v4, v3;
	_ =	sdelay $0x1  }
0x3b: {  	(xrf1) =	vsort.dscd.msk.f32 $0xffff, v2, v62;
	_ =	sdelay $0xb  }
0x3c: {  	v2, v3, _ =	vpop (xrf1)  }
0x3d: {  	v2 =	vperm.xlane v2, v1;
	v3 =	vperm.xlane v3, v1  }
0x3e: {  	v63, v5, _ =	vpop (xrf1)  }
0x3f: {  	vm13 =	veq.f32 v63, v2;
	vm14 =	vlt.f32 v5, v3  }
0x40: {  	vm15 =	vgt.f32 v63, v2;
	vm0 =	vmand vm13, vm14  }
0x41: {  	vm0 =	vmor vm15, vm0  }
0x42: {  	v2 =	vsel vm0, v63, v2;
	v3 =	vsel vm0, v5, v3  }
0x43: {  	(xrf1) =	vsort.dscd.msk.f32 $0xffff, v2, v3;
	_ =	sdelay $0x9  }
0x44: {  	s11 =	sadd.s32 $0x1, s11  }
0x45: {  	p0 =	sne.s32 s11, $0x28  }
.Ltmp1:
0x46: {  	_ = 	snop;
	(pc) =	sbr.rel @p0 .LBB2_2-.Ltmp1, $4  }
0x47: {  	_ = 	snop  }
0x48: {  	v2, v3, _ =	vpop (xrf1)  }
0x49: {  	[tilespmem:s12+$0xC800] =	vst v2  }
0x4a: {  	[tilespmem:s12+$0xDC00] =	vst v3  }
0x4b: {  	[hbm4b:s4+s2] =	stream.linear.scatter [tilespmem:s8], [sflag:$0x1], $0x1400, $0x38;
	[tilespmem:$0xF000] =	vst v63  }
0x4c: {  	s10 =	sadd.s32 $0x1, s10;
	_ =	swait.ge [sflag:s7], $0x1400  }
0x4d: {  	p0 =	sne.s32 s10, s6;
	[sflag:s7] =	ssyncset.done $0x0  }
.Ltmp2:
0x4e: {  	[sflag:s7] =	ssyncadd.s32 $0xFFFFEC00;
	(pc) =	sbr.rel @p0 .LBB2_1-.Ltmp2, $4  }
0x4f: {  	[hbm4b:s5+s2] =	stream.linear.scatter [tilespmem:s9], [sflag:$0x1], $0x1400, $0x38;
	[tilespmem:$0xF000] =	vst v63  }
0x50: {  	_ =	swait.ge [sflag:s7], $0x1400  }
0x51: {  	[sflag:s7] =	ssyncset.done $0x0  }
0x52: {  	[sflag:s7] =	ssyncadd.s32 $0xFFFFEC00  }
0x53: {  	_ =	sfence.sel $0x180000  }
0x54: {  	[bflag:$0x0] =	sbarrier.arrive $0xFFFF  }
0x55: {  	p0 =	sne.s32 s0, $0x0;
	_ =	strace $0x90000047  }
0x56: {  	s0 =	sadd.s32 @!p0 $0x100000, s1;
	[bflag:$0x2] =	sbarrier.arrive $0xFFFF  }
0x57: {  	[sflag:s0] =	ssyncadd.tile.s32 @!p0 $0x1;
	_ =	shalt  }
.Lfunc_end2:
_tile_overlayer_lowered:
.L_overlay_start_2:
0x58: {  	(tag) =	ssettag $0x2  }
0x59: {  	s0 =	rddreg [dreg:$0x0];
	s2 =	stileid.u32  }
0x5a: {  	s1 =	rddreg [dreg:$0x1];
	p0 =	sne.s32 s2, $0x0  }
0x5b: {  	s3 =	rddreg [dreg:$0x2];
	[bflag:$0x3] =	sbarrier.arrive $0xFFFF;
	s2 =	simm.s32 @!p0 $0x1C01  }
0x5c: {  	[timem:s3], [sflag:s2] =	dma.local @!p0 [hbm:s0], s1  }
0x5d: {  	s0 =	simm.s32 @!p0 $0x1  }
0x5e: {  	_ =	swait.ge @!p0 [sflag:s0], s1  }
0x5f: {  	s1 =	ssub.s32 @!p0 $0x0, s1;
	[sflag:s0] =	ssyncset.done @!p0 $0x0  }
0x60: {  	[sflag:s0] =	ssyncadd.s32 @!p0 s1  }
0x61: {  	[bflag:$0x3] =	sbarrier.arrive $0xFFFF  }
0x62: {  	_ =	shalt  }

</sc_bundles>
